<compile_context>
chip_gen: v7x
topology: tpu7x:2x2x1
jax: 0.10.2.dev20260603
libtpu: 0.0.44.dev20260713+nightly
codegen_flags: <defaults>
</compile_context>

<pallas_src>
import jax
import jax.numpy as jnp
from jax import lax
from jax.experimental import pallas as pl
from jax.experimental.pallas import tpu as pltpu
from jax.experimental.pallas import tpu_sc as plsc

DIM = 32
N_EMBED = 8192
N_ROWS = 8192
ROW_BLOCK = 1024
CODE_CHUNK = 2048
N_CHUNKS = N_EMBED // CODE_CHUNK
GRID = N_ROWS // ROW_BLOCK


def _tc_body(x_ref, e_ref, x2_ref, e2_ref, ind_ref, dsum_ref, et_ref):
    x2 = x2_ref[...]
    x_bf = (2.0 * x_ref[...]).astype(jnp.bfloat16)
    e_bf = e_ref[...].astype(jnp.bfloat16)
    lane = lax.broadcasted_iota(jnp.int32, (ROW_BLOCK, 128), 1)

    best_i = None
    acc = None
    for c in range(N_CHUNKS):
        c0 = c * CODE_CHUNK
        ec = e_bf[:, c0:c0 + CODE_CHUNK]
        m2 = lax.dot_general(
            x_bf, ec, (((1,), (0,)), ((), ())),
            preferred_element_type=jnp.float32)
        d = (x2 - m2) + e2_ref[:, c0:c0 + CODE_CHUNK]
        runm = d[:, 0:128]
        runk = jnp.zeros((ROW_BLOCK, 128), jnp.int32)
        for k in range(1, CODE_CHUNK // 128):
            v = d[:, k * 128:(k + 1) * 128]
            lt = v < runm
            runm = jnp.where(lt, v, runm)
            runk = jnp.where(lt, jnp.int32(k), runk)
        mv = jnp.min(runm, axis=1, keepdims=True)
        gidx = runk * jnp.int32(128) + lane
        mi = jnp.min(jnp.where(runm == mv, gidx, jnp.int32(2**30)), axis=1,
                     keepdims=True) + jnp.int32(c0)
        neg = -mv
        neg_r = neg.astype(jnp.bfloat16).astype(jnp.float32)
        if best_i is None:
            best_i, acc, dmin = mi, neg_r, mv
        else:
            take = neg > acc
            best_i = jnp.where(take, mi, best_i)
            acc = jnp.where(take, neg_r, acc)
            dmin = jnp.minimum(dmin, mv)

    ind_ref[...] = best_i
    dsum_ref[0, 0, 0] = jnp.sum(dmin) * (1.0 / (N_ROWS * DIM))
    i = pl.program_id(0)
    et_ref[...] = e_ref[:, pl.ds(i * (N_EMBED // GRID), N_EMBED // GRID)].T


def _tc_argmin(flatten, embed, x2, e2):
    return pl.pallas_call(
        _tc_body,
        grid=(GRID,),
        in_specs=[
            pl.BlockSpec((ROW_BLOCK, DIM), lambda i: (i, 0)),
            pl.BlockSpec((DIM, N_EMBED), lambda i: (0, 0)),
            pl.BlockSpec((ROW_BLOCK, 1), lambda i: (i, 0)),
            pl.BlockSpec((1, N_EMBED), lambda i: (0, 0)),
        ],
        out_specs=[
            pl.BlockSpec((ROW_BLOCK, 1), lambda i: (i, 0)),
            pl.BlockSpec(block_shape=(1, 1, 1), index_map=lambda i: (i, 0, 0),
                         memory_space=pltpu.SMEM),
            pl.BlockSpec((N_EMBED // GRID, DIM), lambda i: (i, 0)),
        ],
        out_shape=[
            jax.ShapeDtypeStruct((N_ROWS, 1), jnp.int32),
            jax.ShapeDtypeStruct((GRID, 1, 1), jnp.float32),
            jax.ShapeDtypeStruct((N_EMBED, DIM), jnp.float32),
        ],
        compiler_params=pltpu.CompilerParams(
            dimension_semantics=("parallel",)),
    )(flatten, embed, x2, e2)


def _sc_gather_body(table_ref, idx_ref, out_ref, idx_v, rows_v, sem):
    wid = lax.axis_index("s") * 2 + lax.axis_index("c")
    base = wid * 256
    pltpu.sync_copy(idx_ref.at[pl.ds(base, 256)], idx_v)
    cp = pltpu.async_copy(table_ref.at[idx_v], rows_v, sem)
    cp.wait()
    pltpu.sync_copy(rows_v, out_ref.at[pl.ds(base, 256)])


def _sc_gather(table, idx_flat):
    mesh = plsc.VectorSubcoreMesh(core_axis_name="c", subcore_axis_name="s")
    k = pl.kernel(
        _sc_gather_body,
        out_type=jax.ShapeDtypeStruct((N_ROWS, DIM), jnp.float32),
        mesh=mesh,
        scratch_types=[
            pltpu.VMEM((256,), jnp.int32),
            pltpu.VMEM((256, DIM), jnp.float32),
            pltpu.SemaphoreType.DMA,
        ],
        compiler_params=pltpu.CompilerParams(use_tc_tiling_on_sc=False),
    )
    return k(table, idx_flat)


def kernel(input, embed):
    flatten = input.reshape(-1, DIM)
    x2 = jnp.sum(flatten ** 2, axis=1, keepdims=True)
    e2 = jnp.sum(embed ** 2, axis=0, keepdims=True)
    ind_col, dsum, table = _tc_argmin(flatten, embed, x2, e2)
    ind_flat = ind_col.reshape(N_ROWS)
    embed_ind = ind_flat.reshape(input.shape[:-1])
    q = _sc_gather(table, ind_flat)
    quantize_st = q.reshape(input.shape)
    diff = jnp.sum(dsum).reshape(())
    return (quantize_st, diff, embed_ind)

# --- scband reference (transcript-rebuilt; emitter-appended) ---
"""Pipeline reference for scband-quantize-42434276885049 (READ-ONLY COPY).

The authoritative reference and input builder live on the scoring server;
editing this copy changes nothing except your own understanding.
"""

import jax, jax.numpy as jnp
import numpy as np

DIM = 32
N_EMBED = 8192


def setup_inputs(seed: int = 0) -> dict:
    key = jax.random.key(seed)
    k1, k2 = jax.random.split(key)
    inp = jax.random.normal(k1, (8, 32, 32, DIM), dtype=jnp.float32)
    # learned codebook buffer, stored as (dim, n_embed) exactly like the torch module
    embed = jax.random.normal(k2, (DIM, N_EMBED), dtype=jnp.float32)
    return {"input": inp, "embed": embed}


def reference(input, embed):
    # flatten to (N, dim)
    flatten = input.reshape(-1, DIM)
    # squared euclidean distance to every code: ||x||^2 - 2 x.E + ||E||^2
    dist = (
        jnp.sum(flatten ** 2, axis=1, keepdims=True)
        - 2.0 * (flatten @ embed)
        + jnp.sum(embed ** 2, axis=0, keepdims=True)
    )
    embed_ind = jnp.argmax(-dist, axis=1)
    embed_ind = embed_ind.reshape(input.shape[:-1])
    # embedding lookup: embed_code(embed_ind) = F.embedding(id, embed.T)
    quantize = jnp.take(embed.T, embed_ind, axis=0)
    # commitment loss
    diff = jnp.mean((jax.lax.stop_gradient(quantize) - input) ** 2)
    # straight-through estimator
    quantize_st = input + jax.lax.stop_gradient(quantize - input)
    return (quantize_st, diff, embed_ind)

if __name__ == "__main__":
    import jax
    _d = setup_inputs()
    print(jax.jit(kernel)(*tuple(_d.values())))

</pallas_src>

<mosaic_0001>
#map = affine_map<(d0, d1) -> (0, 0)>
#map1 = affine_map<(d0, d1) -> (0)>
module attributes {stable_mosaic.version = 14 : i64} {
  func.func @_sc_gather_body(%arg0: i32, %arg1: i32, %arg2: memref<8192x32xf32, #tpu.memory_space<hbm>>, %arg3: memref<8192xi32, #tpu.memory_space<hbm>>, %arg4: memref<8192x32xf32, #tpu.memory_space<hbm>>, %arg5: memref<256xi32, #tpu.memory_space<vmem>>, %arg6: memref<256x32xf32, #tpu.memory_space<vmem>>, %arg7: memref<!tpu.dma_semaphore, #tpu.memory_space<semaphore_mem>>) attributes {dimension_semantics = [#tpu.dimension_semantics<core_parallel>, #tpu.dimension_semantics<subcore_parallel>], iteration_bounds = array<i64: 2, 16>, scalar_prefetch = 0 : i64, scratch_operands = 3 : i64, tpu.core_type = #tpu.core_type<sc_vector_subcore>, window_params = [{transform_indices = #map}, {transform_indices = #map1}, {transform_indices = #map}]} {
    %mul3A = arith.constant 2 : i32
    %mul3A_0 = arith.muli %arg1, %mul3A : i32
    %add3A = arith.addi %mul3A_0, %arg0 : i32
    %mul3A_1 = arith.constant 256 : i32
    %mul3A_2 = arith.muli %add3A, %mul3A_1 : i32
    "tpu.region"() ({
      %run_scoped3A = tpu.sem_alloc : memref<!tpu.dma_semaphore, #tpu.memory_space<semaphore_mem>>
      %dma_start3A_7 = tpu.memref_slice %arg3[%mul3A_2] : memref<8192xi32, #tpu.memory_space<hbm>> -> memref<256xi32, #tpu.memory_space<hbm>>
      %dma_start3A_8 = tpu.memref_slice %arg3[%mul3A_2] : memref<8192xi32, #tpu.memory_space<hbm>> -> memref<256xi32, #tpu.memory_space<hbm>>
      tpu.enqueue_dma source(%dma_start3A_8 : memref<256xi32, #tpu.memory_space<hbm>>) target(%arg5 : memref<256xi32, #tpu.memory_space<vmem>>) target_semaphore(%run_scoped3A : memref<!tpu.dma_semaphore, #tpu.memory_space<semaphore_mem>>)
      %dma_wait3A_9 = tpu.memref_slice %arg3[%mul3A_2] : memref<8192xi32, #tpu.memory_space<hbm>> -> memref<256xi32, #tpu.memory_space<hbm>>
      %dma_wait3A_10 = tpu.memref_slice %arg3[%mul3A_2] : memref<8192xi32, #tpu.memory_space<hbm>> -> memref<256xi32, #tpu.memory_space<hbm>>
      tpu.wait_dma2 semaphore(%run_scoped3A : memref<!tpu.dma_semaphore, #tpu.memory_space<semaphore_mem>>) src(%dma_wait3A_10 : memref<256xi32, #tpu.memory_space<hbm>>) dst(%arg5 : memref<256xi32, #tpu.memory_space<vmem>>)
      tpu.yield
    }) : () -> ()
    %dma_start3A = arith.constant 0 : i32
    %dma_start3A_3 = arith.constant 0 : i32
    %dma_start3A_4 = tpu.memref_slice %arg2[%dma_start3A, %dma_start3A_3] : memref<8192x32xf32, #tpu.memory_space<hbm>> -> memref<8192x32xf32, #tpu.memory_space<hbm>>
    tpu.enqueue_indirect_dma source(%dma_start3A_4 : memref<8192x32xf32, #tpu.memory_space<hbm>>) target(%arg6 : memref<256x32xf32, #tpu.memory_space<vmem>>) offsets(%arg5 : memref<256xi32, #tpu.memory_space<vmem>>) semaphore(%arg7 : memref<!tpu.dma_semaphore, #tpu.memory_space<semaphore_mem>>)
    %dma_wait3A = arith.constant 0 : i32
    %dma_wait3A_5 = arith.constant 0 : i32
    %dma_wait3A_6 = tpu.memref_slice %arg2[%dma_wait3A, %dma_wait3A_5] : memref<8192x32xf32, #tpu.memory_space<hbm>> -> memref<8192x32xf32, #tpu.memory_space<hbm>>
    tpu.wait_indirect_dma semaphore(%arg7 : memref<!tpu.dma_semaphore, #tpu.memory_space<semaphore_mem>>) src(%dma_wait3A_6 : memref<8192x32xf32, #tpu.memory_space<hbm>>) dst(%arg6 : memref<256x32xf32, #tpu.memory_space<vmem>>)
    "tpu.region"() ({
      %run_scoped3A = tpu.sem_alloc : memref<!tpu.dma_semaphore, #tpu.memory_space<semaphore_mem>>
      %dma_start3A_7 = arith.constant 0 : i32
      %dma_start3A_8 = tpu.memref_slice %arg4[%mul3A_2, %dma_start3A_7] : memref<8192x32xf32, #tpu.memory_space<hbm>> -> memref<256x32xf32, #tpu.memory_space<hbm>>
      %dma_start3A_9 = arith.constant 0 : i32
      %dma_start3A_10 = tpu.memref_slice %arg4[%mul3A_2, %dma_start3A_9] : memref<8192x32xf32, #tpu.memory_space<hbm>> -> memref<256x32xf32, #tpu.memory_space<hbm>>
      tpu.enqueue_dma source(%arg6 : memref<256x32xf32, #tpu.memory_space<vmem>>) target(%dma_start3A_10 : memref<256x32xf32, #tpu.memory_space<hbm>>) target_semaphore(%run_scoped3A : memref<!tpu.dma_semaphore, #tpu.memory_space<semaphore_mem>>)
      %dma_wait3A_11 = arith.constant 0 : i32
      %dma_wait3A_12 = tpu.memref_slice %arg4[%mul3A_2, %dma_wait3A_11] : memref<8192x32xf32, #tpu.memory_space<hbm>> -> memref<256x32xf32, #tpu.memory_space<hbm>>
      %dma_wait3A_13 = arith.constant 0 : i32
      %dma_wait3A_14 = tpu.memref_slice %arg4[%mul3A_2, %dma_wait3A_13] : memref<8192x32xf32, #tpu.memory_space<hbm>> -> memref<256x32xf32, #tpu.memory_space<hbm>>
      tpu.wait_dma2 semaphore(%run_scoped3A : memref<!tpu.dma_semaphore, #tpu.memory_space<semaphore_mem>>) src(%arg6 : memref<256x32xf32, #tpu.memory_space<vmem>>) dst(%dma_wait3A_14 : memref<256x32xf32, #tpu.memory_space<hbm>>)
      tpu.yield
    }) : () -> ()
    return
  }
}

module attributes {stable_mosaic.version = 14 : i64} {
  func.func @_tc_body(%arg0: i32, %arg1: memref<1024x32xf32, #tpu.memory_space<vmem>>, %arg2: memref<32x8192xf32, #tpu.memory_space<vmem>>, %arg3: memref<1024x1xf32, #tpu.memory_space<vmem>>, %arg4: memref<1x8192xf32, #tpu.memory_space<vmem>>, %arg5: memref<1024x1xi32, #tpu.memory_space<vmem>>, %arg6: memref<1x1x1xf32, #tpu.memory_space<smem>>, %arg7: memref<1024x32xf32, #tpu.memory_space<vmem>>) attributes {dimension_semantics = [#tpu.dimension_semantics<parallel>], iteration_bounds = array<i64: 8>, scalar_prefetch = 0 : i64, scratch_operands = 0 : i64, tpu.core_type = #tpu.core_type<tc>, window_params = [{transform_indices = @transform_0, window_bounds = array<i64: 1024, 32>}, {pipeline_mode = #tpu.pipeline_mode<synchronous>, transform_indices = @transform_1, window_bounds = array<i64: 32, 8192>}, {transform_indices = @transform_2, window_bounds = array<i64: 1024, 1>}, {pipeline_mode = #tpu.pipeline_mode<synchronous>, transform_indices = @transform_3, window_bounds = array<i64: 1, 8192>}, {transform_indices = @transform_4, window_bounds = array<i64: 1024, 1>}, {transform_indices = @transform_5, window_bounds = array<i64: 1, 1, 1>}, {transform_indices = @transform_6, window_bounds = array<i64: 1024, 32>}]} {
    %get3A = arith.constant 0 : index
    %get3A_0 = arith.constant 0 : index
    %get3A_1 = vector.load %arg3[%get3A, %get3A_0] : memref<1024x1xf32, #tpu.memory_space<vmem>>, vector<1024x1xf32>
    %get3A_2 = arith.constant 0 : index
    %get3A_3 = arith.constant 0 : index
    %get3A_4 = vector.load %arg1[%get3A_2, %get3A_3] : memref<1024x32xf32, #tpu.memory_space<vmem>>, vector<1024x32xf32>
    %mul3A = arith.constant 2.000000e+00 : f32
    %mul3A_5 = vector.broadcast %mul3A : f32 to vector<1024x32xf32>
    %mul3A_6 = arith.mulf %mul3A_5, %get3A_4 : vector<1024x32xf32>
    %convert_element_type3A = arith.truncf %mul3A_6 : vector<1024x32xf32> to vector<1024x32xbf16>
    %get3A_7 = arith.constant 0 : index
    %get3A_8 = arith.constant 0 : index
    %get3A_9 = vector.load %arg2[%get3A_7, %get3A_8] : memref<32x8192xf32, #tpu.memory_space<vmem>>, vector<32x8192xf32>
    %convert_element_type3A_10 = arith.truncf %get3A_9 : vector<32x8192xf32> to vector<32x8192xbf16>
    %iota3A = tpu.iota {dimensions = array<i32: 1>} : vector<1024x128xi32>
    %slice3A = vector.extract_strided_slice %convert_element_type3A_10 {offsets = [0, 0], sizes = [32, 2048], strides = [1, 1]} : vector<32x8192xbf16> to vector<32x2048xbf16>
    %dot_general3A = arith.constant dense<0.000000e+00> : vector<1024x2048xf32>
    %dot_general3A_11 = tpu.matmul %convert_element_type3A, %slice3A, %dot_general3A {dimension_numbers = #tpu.dot_dimension_numbers<[1], [0], [0], [1], [0, 0, 1, 1], [], []>, transpose_lhs_hint = false} : vector<1024x32xbf16>, vector<32x2048xbf16>, vector<1024x2048xf32> -> vector<1024x2048xf32>
    %sub3A = vector.broadcast %get3A_1 : vector<1024x1xf32> to vector<1024x2048xf32>
    %sub3A_12 = arith.subf %sub3A, %dot_general3A_11 : vector<1024x2048xf32>
    %get3A_13 = arith.constant 0 : index
    %get3A_14 = arith.constant 0 : index
    %get3A_15 = vector.load %arg4[%get3A_13, %get3A_14] : memref<1x8192xf32, #tpu.memory_space<vmem>>, vector<1x2048xf32>
    %add3A = vector.broadcast %get3A_15 : vector<1x2048xf32> to vector<1024x2048xf32>
    %add3A_16 = arith.addf %sub3A_12, %add3A : vector<1024x2048xf32>
    %slice3A_17 = vector.extract_strided_slice %add3A_16 {offsets = [0, 0], sizes = [1024, 128], strides = [1, 1]} : vector<1024x2048xf32> to vector<1024x128xf32>
    %broadcast_in_dim3A = arith.constant 0 : i32
    %broadcast_in_dim3A_18 = vector.broadcast %broadcast_in_dim3A : i32 to vector<1024x128xi32>
    %slice3A_19 = vector.extract_strided_slice %add3A_16 {offsets = [0, 128], sizes = [1024, 128], strides = [1, 1]} : vector<1024x2048xf32> to vector<1024x128xf32>
    %lt3A = arith.cmpf olt, %slice3A_19, %slice3A_17 : vector<1024x128xf32>
    %select_n3A = arith.select %lt3A, %slice3A_19, %slice3A_17 : vector<1024x128xi1>, vector<1024x128xf32>
    %jit3A = arith.constant 1 : i32
    %broadcast_in_dim3A_20 = vector.broadcast %jit3A : i32 to vector<1024x128xi32>
    %select_n3A_21 = arith.select %lt3A, %broadcast_in_dim3A_20, %broadcast_in_dim3A_18 : vector<1024x128xi1>, vector<1024x128xi32>
    %slice3A_22 = vector.extract_strided_slice %add3A_16 {offsets = [0, 256], sizes = [1024, 128], strides = [1, 1]} : vector<1024x2048xf32> to vector<1024x128xf32>
    %lt3A_23 = arith.cmpf olt, %slice3A_22, %select_n3A : vector<1024x128xf32>
    %select_n3A_24 = arith.select %lt3A_23, %slice3A_22, %select_n3A : vector<1024x128xi1>, vector<1024x128xf32>
    %jit3A_25 = arith.constant 2 : i32
    %broadcast_in_dim3A_26 = vector.broadcast %jit3A_25 : i32 to vector<1024x128xi32>
    %select_n3A_27 = arith.select %lt3A_23, %broadcast_in_dim3A_26, %select_n3A_21 : vector<1024x128xi1>, vector<1024x128xi32>
    %slice3A_28 = vector.extract_strided_slice %add3A_16 {offsets = [0, 384], sizes = [1024, 128], strides = [1, 1]} : vector<1024x2048xf32> to vector<1024x128xf32>
    %lt3A_29 = arith.cmpf olt, %slice3A_28, %select_n3A_24 : vector<1024x128xf32>
    %select_n3A_30 = arith.select %lt3A_29, %slice3A_28, %select_n3A_24 : vector<1024x128xi1>, vector<1024x128xf32>
    %jit3A_31 = arith.constant 3 : i32
    %broadcast_in_dim3A_32 = vector.broadcast %jit3A_31 : i32 to vector<1024x128xi32>
    %select_n3A_33 = arith.select %lt3A_29, %broadcast_in_dim3A_32, %select_n3A_27 : vector<1024x128xi1>, vector<1024x128xi32>
    %slice3A_34 = vector.extract_strided_slice %add3A_16 {offsets = [0, 512], sizes = [1024, 128], strides = [1, 1]} : vector<1024x2048xf32> to vector<1024x128xf32>
    %lt3A_35 = arith.cmpf olt, %slice3A_34, %select_n3A_30 : vector<1024x128xf32>
    %select_n3A_36 = arith.select %lt3A_35, %slice3A_34, %select_n3A_30 : vector<1024x128xi1>, vector<1024x128xf32>
    %jit3A_37 = arith.constant 4 : i32
    %broadcast_in_dim3A_38 = vector.broadcast %jit3A_37 : i32 to vector<1024x128xi32>
    %select_n3A_39 = arith.select %lt3A_35, %broadcast_in_dim3A_38, %select_n3A_33 : vector<1024x128xi1>, vector<1024x128xi32>
    %slice3A_40 = vector.extract_strided_slice %add3A_16 {offsets = [0, 640], sizes = [1024, 128], strides = [1, 1]} : vector<1024x2048xf32> to vector<1024x128xf32>
    %lt3A_41 = arith.cmpf olt, %slice3A_40, %select_n3A_36 : vector<1024x128xf32>
    %select_n3A_42 = arith.select %lt3A_41, %slice3A_40, %select_n3A_36 : vector<1024x128xi1>, vector<1024x128xf32>
    %jit3A_43 = arith.constant 5 : i32
    %broadcast_in_dim3A_44 = vector.broadcast %jit3A_43 : i32 to vector<1024x128xi32>
    %select_n3A_45 = arith.select %lt3A_41, %broadcast_in_dim3A_44, %select_n3A_39 : vector<1024x128xi1>, vector<1024x128xi32>
    %slice3A_46 = vector.extract_strided_slice %add3A_16 {offsets = [0, 768], sizes = [1024, 128], strides = [1, 1]} : vector<1024x2048xf32> to vector<1024x128xf32>
    %lt3A_47 = arith.cmpf olt, %slice3A_46, %select_n3A_42 : vector<1024x128xf32>
    %select_n3A_48 = arith.select %lt3A_47, %slice3A_46, %select_n3A_42 : vector<1024x128xi1>, vector<1024x128xf32>
    %jit3A_49 = arith.constant 6 : i32
    %broadcast_in_dim3A_50 = vector.broadcast %jit3A_49 : i32 to vector<1024x128xi32>
    %select_n3A_51 = arith.select %lt3A_47, %broadcast_in_dim3A_50, %select_n3A_45 : vector<1024x128xi1>, vector<1024x128xi32>
    %slice3A_52 = vector.extract_strided_slice %add3A_16 {offsets = [0, 896], sizes = [1024, 128], strides = [1, 1]} : vector<1024x2048xf32> to vector<1024x128xf32>
    %lt3A_53 = arith.cmpf olt, %slice3A_52, %select_n3A_48 : vector<1024x128xf32>
    %select_n3A_54 = arith.select %lt3A_53, %slice3A_52, %select_n3A_48 : vector<1024x128xi1>, vector<1024x128xf32>
    %jit3A_55 = arith.constant 7 : i32
    %broadcast_in_dim3A_56 = vector.broadcast %jit3A_55 : i32 to vector<1024x128xi32>
    %select_n3A_57 = arith.select %lt3A_53, %broadcast_in_dim3A_56, %select_n3A_51 : vector<1024x128xi1>, vector<1024x128xi32>
    %slice3A_58 = vector.extract_strided_slice %add3A_16 {offsets = [0, 1024], sizes = [1024, 128], strides = [1, 1]} : vector<1024x2048xf32> to vector<1024x128xf32>
    %lt3A_59 = arith.cmpf olt, %slice3A_58, %select_n3A_54 : vector<1024x128xf32>
    %select_n3A_60 = arith.select %lt3A_59, %slice3A_58, %select_n3A_54 : vector<1024x128xi1>, vector<1024x128xf32>
    %jit3A_61 = arith.constant 8 : i32
    %broadcast_in_dim3A_62 = vector.broadcast %jit3A_61 : i32 to vector<1024x128xi32>
    %select_n3A_63 = arith.select %lt3A_59, %broadcast_in_dim3A_62, %select_n3A_57 : vector<1024x128xi1>, vector<1024x128xi32>
    %slice3A_64 = vector.extract_strided_slice %add3A_16 {offsets = [0, 1152], sizes = [1024, 128], strides = [1, 1]} : vector<1024x2048xf32> to vector<1024x128xf32>
    %lt3A_65 = arith.cmpf olt, %slice3A_64, %select_n3A_60 : vector<1024x128xf32>
    %select_n3A_66 = arith.select %lt3A_65, %slice3A_64, %select_n3A_60 : vector<1024x128xi1>, vector<1024x128xf32>
    %jit3A_67 = arith.constant 9 : i32
    %broadcast_in_dim3A_68 = vector.broadcast %jit3A_67 : i32 to vector<1024x128xi32>
    %select_n3A_69 = arith.select %lt3A_65, %broadcast_in_dim3A_68, %select_n3A_63 : vector<1024x128xi1>, vector<1024x128xi32>
    %slice3A_70 = vector.extract_strided_slice %add3A_16 {offsets = [0, 1280], sizes = [1024, 128], strides = [1, 1]} : vector<1024x2048xf32> to vector<1024x128xf32>
    %lt3A_71 = arith.cmpf olt, %slice3A_70, %select_n3A_66 : vector<1024x128xf32>
    %select_n3A_72 = arith.select %lt3A_71, %slice3A_70, %select_n3A_66 : vector<1024x128xi1>, vector<1024x128xf32>
    %jit3A_73 = arith.constant 10 : i32
    %broadcast_in_dim3A_74 = vector.broadcast %jit3A_73 : i32 to vector<1024x128xi32>
    %select_n3A_75 = arith.select %lt3A_71, %broadcast_in_dim3A_74, %select_n3A_69 : vector<1024x128xi1>, vector<1024x128xi32>
    %slice3A_76 = vector.extract_strided_slice %add3A_16 {offsets = [0, 1408], sizes = [1024, 128], strides = [1, 1]} : vector<1024x2048xf32> to vector<1024x128xf32>
    %lt3A_77 = arith.cmpf olt, %slice3A_76, %select_n3A_72 : vector<1024x128xf32>
    %select_n3A_78 = arith.select %lt3A_77, %slice3A_76, %select_n3A_72 : vector<1024x128xi1>, vector<1024x128xf32>
    %jit3A_79 = arith.constant 11 : i32
    %broadcast_in_dim3A_80 = vector.broadcast %jit3A_79 : i32 to vector<1024x128xi32>
    %select_n3A_81 = arith.select %lt3A_77, %broadcast_in_dim3A_80, %select_n3A_75 : vector<1024x128xi1>, vector<1024x128xi32>
    %slice3A_82 = vector.extract_strided_slice %add3A_16 {offsets = [0, 1536], sizes = [1024, 128], strides = [1, 1]} : vector<1024x2048xf32> to vector<1024x128xf32>
    %lt3A_83 = arith.cmpf olt, %slice3A_82, %select_n3A_78 : vector<1024x128xf32>
    %select_n3A_84 = arith.select %lt3A_83, %slice3A_82, %select_n3A_78 : vector<1024x128xi1>, vector<1024x128xf32>
    %jit3A_85 = arith.constant 12 : i32
    %broadcast_in_dim3A_86 = vector.broadcast %jit3A_85 : i32 to vector<1024x128xi32>
    %select_n3A_87 = arith.select %lt3A_83, %broadcast_in_dim3A_86, %select_n3A_81 : vector<1024x128xi1>, vector<1024x128xi32>
    %slice3A_88 = vector.extract_strided_slice %add3A_16 {offsets = [0, 1664], sizes = [1024, 128], strides = [1, 1]} : vector<1024x2048xf32> to vector<1024x128xf32>
    %lt3A_89 = arith.cmpf olt, %slice3A_88, %select_n3A_84 : vector<1024x128xf32>
    %select_n3A_90 = arith.select %lt3A_89, %slice3A_88, %select_n3A_84 : vector<1024x128xi1>, vector<1024x128xf32>
    %jit3A_91 = arith.constant 13 : i32
    %broadcast_in_dim3A_92 = vector.broadcast %jit3A_91 : i32 to vector<1024x128xi32>
    %select_n3A_93 = arith.select %lt3A_89, %broadcast_in_dim3A_92, %select_n3A_87 : vector<1024x128xi1>, vector<1024x128xi32>
    %slice3A_94 = vector.extract_strided_slice %add3A_16 {offsets = [0, 1792], sizes = [1024, 128], strides = [1, 1]} : vector<1024x2048xf32> to vector<1024x128xf32>
    %lt3A_95 = arith.cmpf olt, %slice3A_94, %select_n3A_90 : vector<1024x128xf32>
    %select_n3A_96 = arith.select %lt3A_95, %slice3A_94, %select_n3A_90 : vector<1024x128xi1>, vector<1024x128xf32>
    %jit3A_97 = arith.constant 14 : i32
    %broadcast_in_dim3A_98 = vector.broadcast %jit3A_97 : i32 to vector<1024x128xi32>
    %select_n3A_99 = arith.select %lt3A_95, %broadcast_in_dim3A_98, %select_n3A_93 : vector<1024x128xi1>, vector<1024x128xi32>
    %slice3A_100 = vector.extract_strided_slice %add3A_16 {offsets = [0, 1920], sizes = [1024, 128], strides = [1, 1]} : vector<1024x2048xf32> to vector<1024x128xf32>
    %lt3A_101 = arith.cmpf olt, %slice3A_100, %select_n3A_96 : vector<1024x128xf32>
    %select_n3A_102 = arith.select %lt3A_101, %slice3A_100, %select_n3A_96 : vector<1024x128xi1>, vector<1024x128xf32>
    %jit3A_103 = arith.constant 15 : i32
    %broadcast_in_dim3A_104 = vector.broadcast %jit3A_103 : i32 to vector<1024x128xi32>
    %select_n3A_105 = arith.select %lt3A_101, %broadcast_in_dim3A_104, %select_n3A_99 : vector<1024x128xi1>, vector<1024x128xi32>
    %reduce_min3A = arith.constant dense<0x7F800000> : vector<1024xf32>
    %reduce_min3A_106 = vector.multi_reduction <minimumf>, %select_n3A_102, %reduce_min3A [1] : vector<1024x128xf32> to vector<1024xf32>
    %broadcast_in_dim3A_107 = vector.shape_cast %reduce_min3A_106 : vector<1024xf32> to vector<1024x1xf32>
    %mul3A_108 = arith.constant 128 : i32
    %mul3A_109 = vector.broadcast %mul3A_108 : i32 to vector<1024x128xi32>
    %mul3A_110 = arith.muli %select_n3A_105, %mul3A_109 : vector<1024x128xi32>
    %add3A_111 = arith.addi %mul3A_110, %iota3A : vector<1024x128xi32>
    %eq3A = vector.broadcast %broadcast_in_dim3A_107 : vector<1024x1xf32> to vector<1024x128xf32>
    %eq3A_112 = arith.cmpf oeq, %select_n3A_102, %eq3A : vector<1024x128xf32>
    %jit3A_113 = arith.constant 1073741824 : i32
    %broadcast_in_dim3A_114 = vector.broadcast %jit3A_113 : i32 to vector<1024x128xi32>
    %select_n3A_115 = arith.select %eq3A_112, %add3A_111, %broadcast_in_dim3A_114 : vector<1024x128xi1>, vector<1024x128xi32>
    %reduce_min3A_116 = arith.constant dense<2147483647> : vector<1024xi32>
    %reduce_min3A_117 = vector.multi_reduction <minsi>, %select_n3A_115, %reduce_min3A_116 [1] : vector<1024x128xi32> to vector<1024xi32>
    %broadcast_in_dim3A_118 = vector.shape_cast %reduce_min3A_117 : vector<1024xi32> to vector<1024x1xi32>
    %add3A_119 = arith.constant 0 : i32
    %add3A_120 = vector.broadcast %add3A_119 : i32 to vector<1024x1xi32>
    %add3A_121 = arith.addi %broadcast_in_dim3A_118, %add3A_120 : vector<1024x1xi32>
    %neg3A = arith.constant 0.000000e+00 : f32
    %neg3A_122 = vector.broadcast %neg3A : f32 to vector<1024x1xf32>
    %neg3A_123 = arith.subf %neg3A_122, %broadcast_in_dim3A_107 : vector<1024x1xf32>
    %convert_element_type3A_124 = arith.truncf %neg3A_123 : vector<1024x1xf32> to vector<1024x1xbf16>
    %convert_element_type3A_125 = arith.extf %convert_element_type3A_124 : vector<1024x1xbf16> to vector<1024x1xf32>
    %slice3A_126 = vector.extract_strided_slice %convert_element_type3A_10 {offsets = [0, 2048], sizes = [32, 2048], strides = [1, 1]} : vector<32x8192xbf16> to vector<32x2048xbf16>
    %dot_general3A_127 = arith.constant dense<0.000000e+00> : vector<1024x2048xf32>
    %dot_general3A_128 = tpu.matmul %convert_element_type3A, %slice3A_126, %dot_general3A_127 {dimension_numbers = #tpu.dot_dimension_numbers<[1], [0], [0], [1], [0, 0, 1, 1], [], []>, transpose_lhs_hint = false} : vector<1024x32xbf16>, vector<32x2048xbf16>, vector<1024x2048xf32> -> vector<1024x2048xf32>
    %sub3A_129 = vector.broadcast %get3A_1 : vector<1024x1xf32> to vector<1024x2048xf32>
    %sub3A_130 = arith.subf %sub3A_129, %dot_general3A_128 : vector<1024x2048xf32>
    %get3A_131 = arith.constant 0 : index
    %get3A_132 = arith.constant 2048 : index
    %get3A_133 = vector.load %arg4[%get3A_131, %get3A_132] : memref<1x8192xf32, #tpu.memory_space<vmem>>, vector<1x2048xf32>
    %add3A_134 = vector.broadcast %get3A_133 : vector<1x2048xf32> to vector<1024x2048xf32>
    %add3A_135 = arith.addf %sub3A_130, %add3A_134 : vector<1024x2048xf32>
    %slice3A_136 = vector.extract_strided_slice %add3A_135 {offsets = [0, 0], sizes = [1024, 128], strides = [1, 1]} : vector<1024x2048xf32> to vector<1024x128xf32>
    %broadcast_in_dim3A_137 = arith.constant 0 : i32
    %broadcast_in_dim3A_138 = vector.broadcast %broadcast_in_dim3A_137 : i32 to vector<1024x128xi32>
    %slice3A_139 = vector.extract_strided_slice %add3A_135 {offsets = [0, 128], sizes = [1024, 128], strides = [1, 1]} : vector<1024x2048xf32> to vector<1024x128xf32>
    %lt3A_140 = arith.cmpf olt, %slice3A_139, %slice3A_136 : vector<1024x128xf32>
    %select_n3A_141 = arith.select %lt3A_140, %slice3A_139, %slice3A_136 : vector<1024x128xi1>, vector<1024x128xf32>
    %jit3A_142 = arith.constant 1 : i32
    %broadcast_in_dim3A_143 = vector.broadcast %jit3A_142 : i32 to vector<1024x128xi32>
    %select_n3A_144 = arith.select %lt3A_140, %broadcast_in_dim3A_143, %broadcast_in_dim3A_138 : vector<1024x128xi1>, vector<1024x128xi32>
    %slice3A_145 = vector.extract_strided_slice %add3A_135 {offsets = [0, 256], sizes = [1024, 128], strides = [1, 1]} : vector<1024x2048xf32> to vector<1024x128xf32>
    %lt3A_146 = arith.cmpf olt, %slice3A_145, %select_n3A_141 : vector<1024x128xf32>
    %select_n3A_147 = arith.select %lt3A_146, %slice3A_145, %select_n3A_141 : vector<1024x128xi1>, vector<1024x128xf32>
    %jit3A_148 = arith.constant 2 : i32
    %broadcast_in_dim3A_149 = vector.broadcast %jit3A_148 : i32 to vector<1024x128xi32>
    %select_n3A_150 = arith.select %lt3A_146, %broadcast_in_dim3A_149, %select_n3A_144 : vector<1024x128xi1>, vector<1024x128xi32>
    %slice3A_151 = vector.extract_strided_slice %add3A_135 {offsets = [0, 384], sizes = [1024, 128], strides = [1, 1]} : vector<1024x2048xf32> to vector<1024x128xf32>
    %lt3A_152 = arith.cmpf olt, %slice3A_151, %select_n3A_147 : vector<1024x128xf32>
    %select_n3A_153 = arith.select %lt3A_152, %slice3A_151, %select_n3A_147 : vector<1024x128xi1>, vector<1024x128xf32>
    %jit3A_154 = arith.constant 3 : i32
    %broadcast_in_dim3A_155 = vector.broadcast %jit3A_154 : i32 to vector<1024x128xi32>
    %select_n3A_156 = arith.select %lt3A_152, %broadcast_in_dim3A_155, %select_n3A_150 : vector<1024x128xi1>, vector<1024x128xi32>
    %slice3A_157 = vector.extract_strided_slice %add3A_135 {offsets = [0, 512], sizes = [1024, 128], strides = [1, 1]} : vector<1024x2048xf32> to vector<1024x128xf32>
    %lt3A_158 = arith.cmpf olt, %slice3A_157, %select_n3A_153 : vector<1024x128xf32>
    %select_n3A_159 = arith.select %lt3A_158, %slice3A_157, %select_n3A_153 : vector<1024x128xi1>, vector<1024x128xf32>
    %jit3A_160 = arith.constant 4 : i32
    %broadcast_in_dim3A_161 = vector.broadcast %jit3A_160 : i32 to vector<1024x128xi32>
    %select_n3A_162 = arith.select %lt3A_158, %broadcast_in_dim3A_161, %select_n3A_156 : vector<1024x128xi1>, vector<1024x128xi32>
    %slice3A_163 = vector.extract_strided_slice %add3A_135 {offsets = [0, 640], sizes = [1024, 128], strides = [1, 1]} : vector<1024x2048xf32> to vector<1024x128xf32>
    %lt3A_164 = arith.cmpf olt, %slice3A_163, %select_n3A_159 : vector<1024x128xf32>
    %select_n3A_165 = arith.select %lt3A_164, %slice3A_163, %select_n3A_159 : vector<1024x128xi1>, vector<1024x128xf32>
    %jit3A_166 = arith.constant 5 : i32
    %broadcast_in_dim3A_167 = vector.broadcast %jit3A_166 : i32 to vector<1024x128xi32>
    %select_n3A_168 = arith.select %lt3A_164, %broadcast_in_dim3A_167, %select_n3A_162 : vector<1024x128xi1>, vector<1024x128xi32>
    %slice3A_169 = vector.extract_strided_slice %add3A_135 {offsets = [0, 768], sizes = [1024, 128], strides = [1, 1]} : vector<1024x2048xf32> to vector<1024x128xf32>
    %lt3A_170 = arith.cmpf olt, %slice3A_169, %select_n3A_165 : vector<1024x128xf32>
    %select_n3A_171 = arith.select %lt3A_170, %slice3A_169, %select_n3A_165 : vector<1024x128xi1>, vector<1024x128xf32>
    %jit3A_172 = arith.constant 6 : i32
    %broadcast_in_dim3A_173 = vector.broadcast %jit3A_172 : i32 to vector<1024x128xi32>
    %select_n3A_174 = arith.select %lt3A_170, %broadcast_in_dim3A_173, %select_n3A_168 : vector<1024x128xi1>, vector<1024x128xi32>
    %slice3A_175 = vector.extract_strided_slice %add3A_135 {offsets = [0, 896], sizes = [1024, 128], strides = [1, 1]} : vector<1024x2048xf32> to vector<1024x128xf32>
    %lt3A_176 = arith.cmpf olt, %slice3A_175, %select_n3A_171 : vector<1024x128xf32>
    %select_n3A_177 = arith.select %lt3A_176, %slice3A_175, %select_n3A_171 : vector<1024x128xi1>, vector<1024x128xf32>
    %jit3A_178 = arith.constant 7 : i32
    %broadcast_in_dim3A_179 = vector.broadcast %jit3A_178 : i32 to vector<1024x128xi32>
    %select_n3A_180 = arith.select %lt3A_176, %broadcast_in_dim3A_179, %select_n3A_174 : vector<1024x128xi1>, vector<1024x128xi32>
    %slice3A_181 = vector.extract_strided_slice %add3A_135 {offsets = [0, 1024], sizes = [1024, 128], strides = [1, 1]} : vector<1024x2048xf32> to vector<1024x128xf32>
    %lt3A_182 = arith.cmpf olt, %slice3A_181, %select_n3A_177 : vector<1024x128xf32>
    %select_n3A_183 = arith.select %lt3A_182, %slice3A_181, %select_n3A_177 : vector<1024x128xi1>, vector<1024x128xf32>
    %jit3A_184 = arith.constant 8 : i32
    %broadcast_in_dim3A_185 = vector.broadcast %jit3A_184 : i32 to vector<1024x128xi32>
    %select_n3A_186 = arith.select %lt3A_182, %broadcast_in_dim3A_185, %select_n3A_180 : vector<1024x128xi1>, vector<1024x128xi32>
    %slice3A_187 = vector.extract_strided_slice %add3A_135 {offsets = [0, 1152], sizes = [1024, 128], strides = [1, 1]} : vector<1024x2048xf32> to vector<1024x128xf32>
    %lt3A_188 = arith.cmpf olt, %slice3A_187, %select_n3A_183 : vector<1024x128xf32>
    %select_n3A_189 = arith.select %lt3A_188, %slice3A_187, %select_n3A_183 : vector<1024x128xi1>, vector<1024x128xf32>
    %jit3A_190 = arith.constant 9 : i32
    %broadcast_in_dim3A_191 = vector.broadcast %jit3A_190 : i32 to vector<1024x128xi32>
    %select_n3A_192 = arith.select %lt3A_188, %broadcast_in_dim3A_191, %select_n3A_186 : vector<1024x128xi1>, vector<1024x128xi32>
    %slice3A_193 = vector.extract_strided_slice %add3A_135 {offsets = [0, 1280], sizes = [1024, 128], strides = [1, 1]} : vector<1024x2048xf32> to vector<1024x128xf32>
    %lt3A_194 = arith.cmpf olt, %slice3A_193, %select_n3A_189 : vector<1024x128xf32>
    %select_n3A_195 = arith.select %lt3A_194, %slice3A_193, %select_n3A_189 : vector<1024x128xi1>, vector<1024x128xf32>
    %jit3A_196 = arith.constant 10 : i32
    %broadcast_in_dim3A_197 = vector.broadcast %jit3A_196 : i32 to vector<1024x128xi32>
    %select_n3A_198 = arith.select %lt3A_194, %broadcast_in_dim3A_197, %select_n3A_192 : vector<1024x128xi1>, vector<1024x128xi32>
    %slice3A_199 = vector.extract_strided_slice %add3A_135 {offsets = [0, 1408], sizes = [1024, 128], strides = [1, 1]} : vector<1024x2048xf32> to vector<1024x128xf32>
    %lt3A_200 = arith.cmpf olt, %slice3A_199, %select_n3A_195 : vector<1024x128xf32>
    %select_n3A_201 = arith.select %lt3A_200, %slice3A_199, %select_n3A_195 : vector<1024x128xi1>, vector<1024x128xf32>
    %jit3A_202 = arith.constant 11 : i32
    %broadcast_in_dim3A_203 = vector.broadcast %jit3A_202 : i32 to vector<1024x128xi32>
    %select_n3A_204 = arith.select %lt3A_200, %broadcast_in_dim3A_203, %select_n3A_198 : vector<1024x128xi1>, vector<1024x128xi32>
    %slice3A_205 = vector.extract_strided_slice %add3A_135 {offsets = [0, 1536], sizes = [1024, 128], strides = [1, 1]} : vector<1024x2048xf32> to vector<1024x128xf32>
    %lt3A_206 = arith.cmpf olt, %slice3A_205, %select_n3A_201 : vector<1024x128xf32>
    %select_n3A_207 = arith.select %lt3A_206, %slice3A_205, %select_n3A_201 : vector<1024x128xi1>, vector<1024x128xf32>
    %jit3A_208 = arith.constant 12 : i32
    %broadcast_in_dim3A_209 = vector.broadcast %jit3A_208 : i32 to vector<1024x128xi32>
    %select_n3A_210 = arith.select %lt3A_206, %broadcast_in_dim3A_209, %select_n3A_204 : vector<1024x128xi1>, vector<1024x128xi32>
    %slice3A_211 = vector.extract_strided_slice %add3A_135 {offsets = [0, 1664], sizes = [1024, 128], strides = [1, 1]} : vector<1024x2048xf32> to vector<1024x128xf32>
    %lt3A_212 = arith.cmpf olt, %slice3A_211, %select_n3A_207 : vector<1024x128xf32>
    %select_n3A_213 = arith.select %lt3A_212, %slice3A_211, %select_n3A_207 : vector<1024x128xi1>, vector<1024x128xf32>
    %jit3A_214 = arith.constant 13 : i32
    %broadcast_in_dim3A_215 = vector.broadcast %jit3A_214 : i32 to vector<1024x128xi32>
    %select_n3A_216 = arith.select %lt3A_212, %broadcast_in_dim3A_215, %select_n3A_210 : vector<1024x128xi1>, vector<1024x128xi32>
    %slice3A_217 = vector.extract_strided_slice %add3A_135 {offsets = [0, 1792], sizes = [1024, 128], strides = [1, 1]} : vector<1024x2048xf32> to vector<1024x128xf32>
    %lt3A_218 = arith.cmpf olt, %slice3A_217, %select_n3A_213 : vector<1024x128xf32>
    %select_n3A_219 = arith.select %lt3A_218, %slice3A_217, %select_n3A_213 : vector<1024x128xi1>, vector<1024x128xf32>
    %jit3A_220 = arith.constant 14 : i32
    %broadcast_in_dim3A_221 = vector.broadcast %jit3A_220 : i32 to vector<1024x128xi32>
    %select_n3A_222 = arith.select %lt3A_218, %broadcast_in_dim3A_221, %select_n3A_216 : vector<1024x128xi1>, vector<1024x128xi32>
    %slice3A_223 = vector.extract_strided_slice %add3A_135 {offsets = [0, 1920], sizes = [1024, 128], strides = [1, 1]} : vector<1024x2048xf32> to vector<1024x128xf32>
    %lt3A_224 = arith.cmpf olt, %slice3A_223, %select_n3A_219 : vector<1024x128xf32>
    %select_n3A_225 = arith.select %lt3A_224, %slice3A_223, %select_n3A_219 : vector<1024x128xi1>, vector<1024x128xf32>
    %jit3A_226 = arith.constant 15 : i32
    %broadcast_in_dim3A_227 = vector.broadcast %jit3A_226 : i32 to vector<1024x128xi32>
    %select_n3A_228 = arith.select %lt3A_224, %broadcast_in_dim3A_227, %select_n3A_222 : vector<1024x128xi1>, vector<1024x128xi32>
    %reduce_min3A_229 = arith.constant dense<0x7F800000> : vector<1024xf32>
    %reduce_min3A_230 = vector.multi_reduction <minimumf>, %select_n3A_225, %reduce_min3A_229 [1] : vector<1024x128xf32> to vector<1024xf32>
    %broadcast_in_dim3A_231 = vector.shape_cast %reduce_min3A_230 : vector<1024xf32> to vector<1024x1xf32>
    %mul3A_232 = arith.constant 128 : i32
    %mul3A_233 = vector.broadcast %mul3A_232 : i32 to vector<1024x128xi32>
    %mul3A_234 = arith.muli %select_n3A_228, %mul3A_233 : vector<1024x128xi32>
    %add3A_235 = arith.addi %mul3A_234, %iota3A : vector<1024x128xi32>
    %eq3A_236 = vector.broadcast %broadcast_in_dim3A_231 : vector<1024x1xf32> to vector<1024x128xf32>
    %eq3A_237 = arith.cmpf oeq, %select_n3A_225, %eq3A_236 : vector<1024x128xf32>
    %jit3A_238 = arith.constant 1073741824 : i32
    %broadcast_in_dim3A_239 = vector.broadcast %jit3A_238 : i32 to vector<1024x128xi32>
    %select_n3A_240 = arith.select %eq3A_237, %add3A_235, %broadcast_in_dim3A_239 : vector<1024x128xi1>, vector<1024x128xi32>
    %reduce_min3A_241 = arith.constant dense<2147483647> : vector<1024xi32>
    %reduce_min3A_242 = vector.multi_reduction <minsi>, %select_n3A_240, %reduce_min3A_241 [1] : vector<1024x128xi32> to vector<1024xi32>
    %broadcast_in_dim3A_243 = vector.shape_cast %reduce_min3A_242 : vector<1024xi32> to vector<1024x1xi32>
    %add3A_244 = arith.constant 2048 : i32
    %add3A_245 = vector.broadcast %add3A_244 : i32 to vector<1024x1xi32>
    %add3A_246 = arith.addi %broadcast_in_dim3A_243, %add3A_245 : vector<1024x1xi32>
    %neg3A_247 = arith.constant 0.000000e+00 : f32
    %neg3A_248 = vector.broadcast %neg3A_247 : f32 to vector<1024x1xf32>
    %neg3A_249 = arith.subf %neg3A_248, %broadcast_in_dim3A_231 : vector<1024x1xf32>
    %convert_element_type3A_250 = arith.truncf %neg3A_249 : vector<1024x1xf32> to vector<1024x1xbf16>
    %convert_element_type3A_251 = arith.extf %convert_element_type3A_250 : vector<1024x1xbf16> to vector<1024x1xf32>
    %gt3A = arith.cmpf ogt, %neg3A_249, %convert_element_type3A_125 : vector<1024x1xf32>
    %select_n3A_252 = arith.select %gt3A, %add3A_246, %add3A_121 : vector<1024x1xi1>, vector<1024x1xi32>
    %select_n3A_253 = arith.select %gt3A, %convert_element_type3A_251, %convert_element_type3A_125 : vector<1024x1xi1>, vector<1024x1xf32>
    %min3A = arith.minimumf %broadcast_in_dim3A_107, %broadcast_in_dim3A_231 : vector<1024x1xf32>
    %slice3A_254 = vector.extract_strided_slice %convert_element_type3A_10 {offsets = [0, 4096], sizes = [32, 2048], strides = [1, 1]} : vector<32x8192xbf16> to vector<32x2048xbf16>
    %dot_general3A_255 = arith.constant dense<0.000000e+00> : vector<1024x2048xf32>
    %dot_general3A_256 = tpu.matmul %convert_element_type3A, %slice3A_254, %dot_general3A_255 {dimension_numbers = #tpu.dot_dimension_numbers<[1], [0], [0], [1], [0, 0, 1, 1], [], []>, transpose_lhs_hint = false} : vector<1024x32xbf16>, vector<32x2048xbf16>, vector<1024x2048xf32> -> vector<1024x2048xf32>
    %sub3A_257 = vector.broadcast %get3A_1 : vector<1024x1xf32> to vector<1024x2048xf32>
    %sub3A_258 = arith.subf %sub3A_257, %dot_general3A_256 : vector<1024x2048xf32>
    %get3A_259 = arith.constant 0 : index
    %get3A_260 = arith.constant 4096 : index
    %get3A_261 = vector.load %arg4[%get3A_259, %get3A_260] : memref<1x8192xf32, #tpu.memory_space<vmem>>, vector<1x2048xf32>
    %add3A_262 = vector.broadcast %get3A_261 : vector<1x2048xf32> to vector<1024x2048xf32>
    %add3A_263 = arith.addf %sub3A_258, %add3A_262 : vector<1024x2048xf32>
    %slice3A_264 = vector.extract_strided_slice %add3A_263 {offsets = [0, 0], sizes = [1024, 128], strides = [1, 1]} : vector<1024x2048xf32> to vector<1024x128xf32>
    %broadcast_in_dim3A_265 = arith.constant 0 : i32
    %broadcast_in_dim3A_266 = vector.broadcast %broadcast_in_dim3A_265 : i32 to vector<1024x128xi32>
    %slice3A_267 = vector.extract_strided_slice %add3A_263 {offsets = [0, 128], sizes = [1024, 128], strides = [1, 1]} : vector<1024x2048xf32> to vector<1024x128xf32>
    %lt3A_268 = arith.cmpf olt, %slice3A_267, %slice3A_264 : vector<1024x128xf32>
    %select_n3A_269 = arith.select %lt3A_268, %slice3A_267, %slice3A_264 : vector<1024x128xi1>, vector<1024x128xf32>
    %jit3A_270 = arith.constant 1 : i32
    %broadcast_in_dim3A_271 = vector.broadcast %jit3A_270 : i32 to vector<1024x128xi32>
    %select_n3A_272 = arith.select %lt3A_268, %broadcast_in_dim3A_271, %broadcast_in_dim3A_266 : vector<1024x128xi1>, vector<1024x128xi32>
    %slice3A_273 = vector.extract_strided_slice %add3A_263 {offsets = [0, 256], sizes = [1024, 128], strides = [1, 1]} : vector<1024x2048xf32> to vector<1024x128xf32>
    %lt3A_274 = arith.cmpf olt, %slice3A_273, %select_n3A_269 : vector<1024x128xf32>
    %select_n3A_275 = arith.select %lt3A_274, %slice3A_273, %select_n3A_269 : vector<1024x128xi1>, vector<1024x128xf32>
    %jit3A_276 = arith.constant 2 : i32
    %broadcast_in_dim3A_277 = vector.broadcast %jit3A_276 : i32 to vector<1024x128xi32>
    %select_n3A_278 = arith.select %lt3A_274, %broadcast_in_dim3A_277, %select_n3A_272 : vector<1024x128xi1>, vector<1024x128xi32>
    %slice3A_279 = vector.extract_strided_slice %add3A_263 {offsets = [0, 384], sizes = [1024, 128], strides = [1, 1]} : vector<1024x2048xf32> to vector<1024x128xf32>
    %lt3A_280 = arith.cmpf olt, %slice3A_279, %select_n3A_275 : vector<1024x128xf32>
    %select_n3A_281 = arith.select %lt3A_280, %slice3A_279, %select_n3A_275 : vector<1024x128xi1>, vector<1024x128xf32>
    %jit3A_282 = arith.constant 3 : i32
    %broadcast_in_dim3A_283 = vector.broadcast %jit3A_282 : i32 to vector<1024x128xi32>
    %select_n3A_284 = arith.select %lt3A_280, %broadcast_in_dim3A_283, %select_n3A_278 : vector<1024x128xi1>, vector<1024x128xi32>
    %slice3A_285 = vector.extract_strided_slice %add3A_263 {offsets = [0, 512], sizes = [1024, 128], strides = [1, 1]} : vector<1024x2048xf32> to vector<1024x128xf32>
    %lt3A_286 = arith.cmpf olt, %slice3A_285, %select_n3A_281 : vector<1024x128xf32>
    %select_n3A_287 = arith.select %lt3A_286, %slice3A_285, %select_n3A_281 : vector<1024x128xi1>, vector<1024x128xf32>
    %jit3A_288 = arith.constant 4 : i32
    %broadcast_in_dim3A_289 = vector.broadcast %jit3A_288 : i32 to vector<1024x128xi32>
    %select_n3A_290 = arith.select %lt3A_286, %broadcast_in_dim3A_289, %select_n3A_284 : vector<1024x128xi1>, vector<1024x128xi32>
    %slice3A_291 = vector.extract_strided_slice %add3A_263 {offsets = [0, 640], sizes = [1024, 128], strides = [1, 1]} : vector<1024x2048xf32> to vector<1024x128xf32>
    %lt3A_292 = arith.cmpf olt, %slice3A_291, %select_n3A_287 : vector<1024x128xf32>
    %select_n3A_293 = arith.select %lt3A_292, %slice3A_291, %select_n3A_287 : vector<1024x128xi1>, vector<1024x128xf32>
    %jit3A_294 = arith.constant 5 : i32
    %broadcast_in_dim3A_295 = vector.broadcast %jit3A_294 : i32 to vector<1024x128xi32>
    %select_n3A_296 = arith.select %lt3A_292, %broadcast_in_dim3A_295, %select_n3A_290 : vector<1024x128xi1>, vector<1024x128xi32>
    %slice3A_297 = vector.extract_strided_slice %add3A_263 {offsets = [0, 768], sizes = [1024, 128], strides = [1, 1]} : vector<1024x2048xf32> to vector<1024x128xf32>
    %lt3A_298 = arith.cmpf olt, %slice3A_297, %select_n3A_293 : vector<1024x128xf32>
    %select_n3A_299 = arith.select %lt3A_298, %slice3A_297, %select_n3A_293 : vector<1024x128xi1>, vector<1024x128xf32>
    %jit3A_300 = arith.constant 6 : i32
    %broadcast_in_dim3A_301 = vector.broadcast %jit3A_300 : i32 to vector<1024x128xi32>
    %select_n3A_302 = arith.select %lt3A_298, %broadcast_in_dim3A_301, %select_n3A_296 : vector<1024x128xi1>, vector<1024x128xi32>
    %slice3A_303 = vector.extract_strided_slice %add3A_263 {offsets = [0, 896], sizes = [1024, 128], strides = [1, 1]} : vector<1024x2048xf32> to vector<1024x128xf32>
    %lt3A_304 = arith.cmpf olt, %slice3A_303, %select_n3A_299 : vector<1024x128xf32>
    %select_n3A_305 = arith.select %lt3A_304, %slice3A_303, %select_n3A_299 : vector<1024x128xi1>, vector<1024x128xf32>
    %jit3A_306 = arith.constant 7 : i32
    %broadcast_in_dim3A_307 = vector.broadcast %jit3A_306 : i32 to vector<1024x128xi32>
    %select_n3A_308 = arith.select %lt3A_304, %broadcast_in_dim3A_307, %select_n3A_302 : vector<1024x128xi1>, vector<1024x128xi32>
    %slice3A_309 = vector.extract_strided_slice %add3A_263 {offsets = [0, 1024], sizes = [1024, 128], strides = [1, 1]} : vector<1024x2048xf32> to vector<1024x128xf32>
    %lt3A_310 = arith.cmpf olt, %slice3A_309, %select_n3A_305 : vector<1024x128xf32>
    %select_n3A_311 = arith.select %lt3A_310, %slice3A_309, %select_n3A_305 : vector<1024x128xi1>, vector<1024x128xf32>
    %jit3A_312 = arith.constant 8 : i32
    %broadcast_in_dim3A_313 = vector.broadcast %jit3A_312 : i32 to vector<1024x128xi32>
    %select_n3A_314 = arith.select %lt3A_310, %broadcast_in_dim3A_313, %select_n3A_308 : vector<1024x128xi1>, vector<1024x128xi32>
    %slice3A_315 = vector.extract_strided_slice %add3A_263 {offsets = [0, 1152], sizes = [1024, 128], strides = [1, 1]} : vector<1024x2048xf32> to vector<1024x128xf32>
    %lt3A_316 = arith.cmpf olt, %slice3A_315, %select_n3A_311 : vector<1024x128xf32>
    %select_n3A_317 = arith.select %lt3A_316, %slice3A_315, %select_n3A_311 : vector<1024x128xi1>, vector<1024x128xf32>
    %jit3A_318 = arith.constant 9 : i32
    %broadcast_in_dim3A_319 = vector.broadcast %jit3A_318 : i32 to vector<1024x128xi32>
    %select_n3A_320 = arith.select %lt3A_316, %broadcast_in_dim3A_319, %select_n3A_314 : vector<1024x128xi1>, vector<1024x128xi32>
    %slice3A_321 = vector.extract_strided_slice %add3A_263 {offsets = [0, 1280], sizes = [1024, 128], strides = [1, 1]} : vector<1024x2048xf32> to vector<1024x128xf32>
    %lt3A_322 = arith.cmpf olt, %slice3A_321, %select_n3A_317 : vector<1024x128xf32>
    %select_n3A_323 = arith.select %lt3A_322, %slice3A_321, %select_n3A_317 : vector<1024x128xi1>, vector<1024x128xf32>
    %jit3A_324 = arith.constant 10 : i32
    %broadcast_in_dim3A_325 = vector.broadcast %jit3A_324 : i32 to vector<1024x128xi32>
    %select_n3A_326 = arith.select %lt3A_322, %broadcast_in_dim3A_325, %select_n3A_320 : vector<1024x128xi1>, vector<1024x128xi32>
    %slice3A_327 = vector.extract_strided_slice %add3A_263 {offsets = [0, 1408], sizes = [1024, 128], strides = [1, 1]} : vector<1024x2048xf32> to vector<1024x128xf32>
    %lt3A_328 = arith.cmpf olt, %slice3A_327, %select_n3A_323 : vector<1024x128xf32>
    %select_n3A_329 = arith.select %lt3A_328, %slice3A_327, %select_n3A_323 : vector<1024x128xi1>, vector<1024x128xf32>
    %jit3A_330 = arith.constant 11 : i32
    %broadcast_in_dim3A_331 = vector.broadcast %jit3A_330 : i32 to vector<1024x128xi32>
    %select_n3A_332 = arith.select %lt3A_328, %broadcast_in_dim3A_331, %select_n3A_326 : vector<1024x128xi1>, vector<1024x128xi32>
    %slice3A_333 = vector.extract_strided_slice %add3A_263 {offsets = [0, 1536], sizes = [1024, 128], strides = [1, 1]} : vector<1024x2048xf32> to vector<1024x128xf32>
    %lt3A_334 = arith.cmpf olt, %slice3A_333, %select_n3A_329 : vector<1024x128xf32>
    %select_n3A_335 = arith.select %lt3A_334, %slice3A_333, %select_n3A_329 : vector<1024x128xi1>, vector<1024x128xf32>
    %jit3A_336 = arith.constant 12 : i32
    %broadcast_in_dim3A_337 = vector.broadcast %jit3A_336 : i32 to vector<1024x128xi32>
    %select_n3A_338 = arith.select %lt3A_334, %broadcast_in_dim3A_337, %select_n3A_332 : vector<1024x128xi1>, vector<1024x128xi32>
    %slice3A_339 = vector.extract_strided_slice %add3A_263 {offsets = [0, 1664], sizes = [1024, 128], strides = [1, 1]} : vector<1024x2048xf32> to vector<1024x128xf32>
    %lt3A_340 = arith.cmpf olt, %slice3A_339, %select_n3A_335 : vector<1024x128xf32>
    %select_n3A_341 = arith.select %lt3A_340, %slice3A_339, %select_n3A_335 : vector<1024x128xi1>, vector<1024x128xf32>
    %jit3A_342 = arith.constant 13 : i32
    %broadcast_in_dim3A_343 = vector.broadcast %jit3A_342 : i32 to vector<1024x128xi32>
    %select_n3A_344 = arith.select %lt3A_340, %broadcast_in_dim3A_343, %select_n3A_338 : vector<1024x128xi1>, vector<1024x128xi32>
    %slice3A_345 = vector.extract_strided_slice %add3A_263 {offsets = [0, 1792], sizes = [1024, 128], strides = [1, 1]} : vector<1024x2048xf32> to vector<1024x128xf32>
    %lt3A_346 = arith.cmpf olt, %slice3A_345, %select_n3A_341 : vector<1024x128xf32>
    %select_n3A_347 = arith.select %lt3A_346, %slice3A_345, %select_n3A_341 : vector<1024x128xi1>, vector<1024x128xf32>
    %jit3A_348 = arith.constant 14 : i32
    %broadcast_in_dim3A_349 = vector.broadcast %jit3A_348 : i32 to vector<1024x128xi32>
    %select_n3A_350 = arith.select %lt3A_346, %broadcast_in_dim3A_349, %select_n3A_344 : vector<1024x128xi1>, vector<1024x128xi32>
    %slice3A_351 = vector.extract_strided_slice %add3A_263 {offsets = [0, 1920], sizes = [1024, 128], strides = [1, 1]} : vector<1024x2048xf32> to vector<1024x128xf32>
    %lt3A_352 = arith.cmpf olt, %slice3A_351, %select_n3A_347 : vector<1024x128xf32>
    %select_n3A_353 = arith.select %lt3A_352, %slice3A_351, %select_n3A_347 : vector<1024x128xi1>, vector<1024x128xf32>
    %jit3A_354 = arith.constant 15 : i32
    %broadcast_in_dim3A_355 = vector.broadcast %jit3A_354 : i32 to vector<1024x128xi32>
    %select_n3A_356 = arith.select %lt3A_352, %broadcast_in_dim3A_355, %select_n3A_350 : vector<1024x128xi1>, vector<1024x128xi32>
    %reduce_min3A_357 = arith.constant dense<0x7F800000> : vector<1024xf32>
    %reduce_min3A_358 = vector.multi_reduction <minimumf>, %select_n3A_353, %reduce_min3A_357 [1] : vector<1024x128xf32> to vector<1024xf32>
    %broadcast_in_dim3A_359 = vector.shape_cast %reduce_min3A_358 : vector<1024xf32> to vector<1024x1xf32>
    %mul3A_360 = arith.constant 128 : i32
    %mul3A_361 = vector.broadcast %mul3A_360 : i32 to vector<1024x128xi32>
    %mul3A_362 = arith.muli %select_n3A_356, %mul3A_361 : vector<1024x128xi32>
    %add3A_363 = arith.addi %mul3A_362, %iota3A : vector<1024x128xi32>
    %eq3A_364 = vector.broadcast %broadcast_in_dim3A_359 : vector<1024x1xf32> to vector<1024x128xf32>
    %eq3A_365 = arith.cmpf oeq, %select_n3A_353, %eq3A_364 : vector<1024x128xf32>
    %jit3A_366 = arith.constant 1073741824 : i32
    %broadcast_in_dim3A_367 = vector.broadcast %jit3A_366 : i32 to vector<1024x128xi32>
    %select_n3A_368 = arith.select %eq3A_365, %add3A_363, %broadcast_in_dim3A_367 : vector<1024x128xi1>, vector<1024x128xi32>
    %reduce_min3A_369 = arith.constant dense<2147483647> : vector<1024xi32>
    %reduce_min3A_370 = vector.multi_reduction <minsi>, %select_n3A_368, %reduce_min3A_369 [1] : vector<1024x128xi32> to vector<1024xi32>
    %broadcast_in_dim3A_371 = vector.shape_cast %reduce_min3A_370 : vector<1024xi32> to vector<1024x1xi32>
    %add3A_372 = arith.constant 4096 : i32
    %add3A_373 = vector.broadcast %add3A_372 : i32 to vector<1024x1xi32>
    %add3A_374 = arith.addi %broadcast_in_dim3A_371, %add3A_373 : vector<1024x1xi32>
    %neg3A_375 = arith.constant 0.000000e+00 : f32
    %neg3A_376 = vector.broadcast %neg3A_375 : f32 to vector<1024x1xf32>
    %neg3A_377 = arith.subf %neg3A_376, %broadcast_in_dim3A_359 : vector<1024x1xf32>
    %convert_element_type3A_378 = arith.truncf %neg3A_377 : vector<1024x1xf32> to vector<1024x1xbf16>
    %convert_element_type3A_379 = arith.extf %convert_element_type3A_378 : vector<1024x1xbf16> to vector<1024x1xf32>
    %gt3A_380 = arith.cmpf ogt, %neg3A_377, %select_n3A_253 : vector<1024x1xf32>
    %select_n3A_381 = arith.select %gt3A_380, %add3A_374, %select_n3A_252 : vector<1024x1xi1>, vector<1024x1xi32>
    %select_n3A_382 = arith.select %gt3A_380, %convert_element_type3A_379, %select_n3A_253 : vector<1024x1xi1>, vector<1024x1xf32>
    %min3A_383 = arith.minimumf %min3A, %broadcast_in_dim3A_359 : vector<1024x1xf32>
    %slice3A_384 = vector.extract_strided_slice %convert_element_type3A_10 {offsets = [0, 6144], sizes = [32, 2048], strides = [1, 1]} : vector<32x8192xbf16> to vector<32x2048xbf16>
    %dot_general3A_385 = arith.constant dense<0.000000e+00> : vector<1024x2048xf32>
    %dot_general3A_386 = tpu.matmul %convert_element_type3A, %slice3A_384, %dot_general3A_385 {dimension_numbers = #tpu.dot_dimension_numbers<[1], [0], [0], [1], [0, 0, 1, 1], [], []>, transpose_lhs_hint = false} : vector<1024x32xbf16>, vector<32x2048xbf16>, vector<1024x2048xf32> -> vector<1024x2048xf32>
    %sub3A_387 = vector.broadcast %get3A_1 : vector<1024x1xf32> to vector<1024x2048xf32>
    %sub3A_388 = arith.subf %sub3A_387, %dot_general3A_386 : vector<1024x2048xf32>
    %get3A_389 = arith.constant 0 : index
    %get3A_390 = arith.constant 6144 : index
    %get3A_391 = vector.load %arg4[%get3A_389, %get3A_390] : memref<1x8192xf32, #tpu.memory_space<vmem>>, vector<1x2048xf32>
    %add3A_392 = vector.broadcast %get3A_391 : vector<1x2048xf32> to vector<1024x2048xf32>
    %add3A_393 = arith.addf %sub3A_388, %add3A_392 : vector<1024x2048xf32>
    %slice3A_394 = vector.extract_strided_slice %add3A_393 {offsets = [0, 0], sizes = [1024, 128], strides = [1, 1]} : vector<1024x2048xf32> to vector<1024x128xf32>
    %broadcast_in_dim3A_395 = arith.constant 0 : i32
    %broadcast_in_dim3A_396 = vector.broadcast %broadcast_in_dim3A_395 : i32 to vector<1024x128xi32>
    %slice3A_397 = vector.extract_strided_slice %add3A_393 {offsets = [0, 128], sizes = [1024, 128], strides = [1, 1]} : vector<1024x2048xf32> to vector<1024x128xf32>
    %lt3A_398 = arith.cmpf olt, %slice3A_397, %slice3A_394 : vector<1024x128xf32>
    %select_n3A_399 = arith.select %lt3A_398, %slice3A_397, %slice3A_394 : vector<1024x128xi1>, vector<1024x128xf32>
    %jit3A_400 = arith.constant 1 : i32
    %broadcast_in_dim3A_401 = vector.broadcast %jit3A_400 : i32 to vector<1024x128xi32>
    %select_n3A_402 = arith.select %lt3A_398, %broadcast_in_dim3A_401, %broadcast_in_dim3A_396 : vector<1024x128xi1>, vector<1024x128xi32>
    %slice3A_403 = vector.extract_strided_slice %add3A_393 {offsets = [0, 256], sizes = [1024, 128], strides = [1, 1]} : vector<1024x2048xf32> to vector<1024x128xf32>
    %lt3A_404 = arith.cmpf olt, %slice3A_403, %select_n3A_399 : vector<1024x128xf32>
    %select_n3A_405 = arith.select %lt3A_404, %slice3A_403, %select_n3A_399 : vector<1024x128xi1>, vector<1024x128xf32>
    %jit3A_406 = arith.constant 2 : i32
    %broadcast_in_dim3A_407 = vector.broadcast %jit3A_406 : i32 to vector<1024x128xi32>
    %select_n3A_408 = arith.select %lt3A_404, %broadcast_in_dim3A_407, %select_n3A_402 : vector<1024x128xi1>, vector<1024x128xi32>
    %slice3A_409 = vector.extract_strided_slice %add3A_393 {offsets = [0, 384], sizes = [1024, 128], strides = [1, 1]} : vector<1024x2048xf32> to vector<1024x128xf32>
    %lt3A_410 = arith.cmpf olt, %slice3A_409, %select_n3A_405 : vector<1024x128xf32>
    %select_n3A_411 = arith.select %lt3A_410, %slice3A_409, %select_n3A_405 : vector<1024x128xi1>, vector<1024x128xf32>
    %jit3A_412 = arith.constant 3 : i32
    %broadcast_in_dim3A_413 = vector.broadcast %jit3A_412 : i32 to vector<1024x128xi32>
    %select_n3A_414 = arith.select %lt3A_410, %broadcast_in_dim3A_413, %select_n3A_408 : vector<1024x128xi1>, vector<1024x128xi32>
    %slice3A_415 = vector.extract_strided_slice %add3A_393 {offsets = [0, 512], sizes = [1024, 128], strides = [1, 1]} : vector<1024x2048xf32> to vector<1024x128xf32>
    %lt3A_416 = arith.cmpf olt, %slice3A_415, %select_n3A_411 : vector<1024x128xf32>
    %select_n3A_417 = arith.select %lt3A_416, %slice3A_415, %select_n3A_411 : vector<1024x128xi1>, vector<1024x128xf32>
    %jit3A_418 = arith.constant 4 : i32
    %broadcast_in_dim3A_419 = vector.broadcast %jit3A_418 : i32 to vector<1024x128xi32>
    %select_n3A_420 = arith.select %lt3A_416, %broadcast_in_dim3A_419, %select_n3A_414 : vector<1024x128xi1>, vector<1024x128xi32>
    %slice3A_421 = vector.extract_strided_slice %add3A_393 {offsets = [0, 640], sizes = [1024, 128], strides = [1, 1]} : vector<1024x2048xf32> to vector<1024x128xf32>
    %lt3A_422 = arith.cmpf olt, %slice3A_421, %select_n3A_417 : vector<1024x128xf32>
    %select_n3A_423 = arith.select %lt3A_422, %slice3A_421, %select_n3A_417 : vector<1024x128xi1>, vector<1024x128xf32>
    %jit3A_424 = arith.constant 5 : i32
    %broadcast_in_dim3A_425 = vector.broadcast %jit3A_424 : i32 to vector<1024x128xi32>
    %select_n3A_426 = arith.select %lt3A_422, %broadcast_in_dim3A_425, %select_n3A_420 : vector<1024x128xi1>, vector<1024x128xi32>
    %slice3A_427 = vector.extract_strided_slice %add3A_393 {offsets = [0, 768], sizes = [1024, 128], strides = [1, 1]} : vector<1024x2048xf32> to vector<1024x128xf32>
    %lt3A_428 = arith.cmpf olt, %slice3A_427, %select_n3A_423 : vector<1024x128xf32>
    %select_n3A_429 = arith.select %lt3A_428, %slice3A_427, %select_n3A_423 : vector<1024x128xi1>, vector<1024x128xf32>
    %jit3A_430 = arith.constant 6 : i32
    %broadcast_in_dim3A_431 = vector.broadcast %jit3A_430 : i32 to vector<1024x128xi32>
    %select_n3A_432 = arith.select %lt3A_428, %broadcast_in_dim3A_431, %select_n3A_426 : vector<1024x128xi1>, vector<1024x128xi32>
    %slice3A_433 = vector.extract_strided_slice %add3A_393 {offsets = [0, 896], sizes = [1024, 128], strides = [1, 1]} : vector<1024x2048xf32> to vector<1024x128xf32>
    %lt3A_434 = arith.cmpf olt, %slice3A_433, %select_n3A_429 : vector<1024x128xf32>
    %select_n3A_435 = arith.select %lt3A_434, %slice3A_433, %select_n3A_429 : vector<1024x128xi1>, vector<1024x128xf32>
    %jit3A_436 = arith.constant 7 : i32
    %broadcast_in_dim3A_437 = vector.broadcast %jit3A_436 : i32 to vector<1024x128xi32>
    %select_n3A_438 = arith.select %lt3A_434, %broadcast_in_dim3A_437, %select_n3A_432 : vector<1024x128xi1>, vector<1024x128xi32>
    %slice3A_439 = vector.extract_strided_slice %add3A_393 {offsets = [0, 1024], sizes = [1024, 128], strides = [1, 1]} : vector<1024x2048xf32> to vector<1024x128xf32>
    %lt3A_440 = arith.cmpf olt, %slice3A_439, %select_n3A_435 : vector<1024x128xf32>
    %select_n3A_441 = arith.select %lt3A_440, %slice3A_439, %select_n3A_435 : vector<1024x128xi1>, vector<1024x128xf32>
    %jit3A_442 = arith.constant 8 : i32
    %broadcast_in_dim3A_443 = vector.broadcast %jit3A_442 : i32 to vector<1024x128xi32>
    %select_n3A_444 = arith.select %lt3A_440, %broadcast_in_dim3A_443, %select_n3A_438 : vector<1024x128xi1>, vector<1024x128xi32>
    %slice3A_445 = vector.extract_strided_slice %add3A_393 {offsets = [0, 1152], sizes = [1024, 128], strides = [1, 1]} : vector<1024x2048xf32> to vector<1024x128xf32>
    %lt3A_446 = arith.cmpf olt, %slice3A_445, %select_n3A_441 : vector<1024x128xf32>
    %select_n3A_447 = arith.select %lt3A_446, %slice3A_445, %select_n3A_441 : vector<1024x128xi1>, vector<1024x128xf32>
    %jit3A_448 = arith.constant 9 : i32
    %broadcast_in_dim3A_449 = vector.broadcast %jit3A_448 : i32 to vector<1024x128xi32>
    %select_n3A_450 = arith.select %lt3A_446, %broadcast_in_dim3A_449, %select_n3A_444 : vector<1024x128xi1>, vector<1024x128xi32>
    %slice3A_451 = vector.extract_strided_slice %add3A_393 {offsets = [0, 1280], sizes = [1024, 128], strides = [1, 1]} : vector<1024x2048xf32> to vector<1024x128xf32>
    %lt3A_452 = arith.cmpf olt, %slice3A_451, %select_n3A_447 : vector<1024x128xf32>
    %select_n3A_453 = arith.select %lt3A_452, %slice3A_451, %select_n3A_447 : vector<1024x128xi1>, vector<1024x128xf32>
    %jit3A_454 = arith.constant 10 : i32
    %broadcast_in_dim3A_455 = vector.broadcast %jit3A_454 : i32 to vector<1024x128xi32>
    %select_n3A_456 = arith.select %lt3A_452, %broadcast_in_dim3A_455, %select_n3A_450 : vector<1024x128xi1>, vector<1024x128xi32>
    %slice3A_457 = vector.extract_strided_slice %add3A_393 {offsets = [0, 1408], sizes = [1024, 128], strides = [1, 1]} : vector<1024x2048xf32> to vector<1024x128xf32>
    %lt3A_458 = arith.cmpf olt, %slice3A_457, %select_n3A_453 : vector<1024x128xf32>
    %select_n3A_459 = arith.select %lt3A_458, %slice3A_457, %select_n3A_453 : vector<1024x128xi1>, vector<1024x128xf32>
    %jit3A_460 = arith.constant 11 : i32
    %broadcast_in_dim3A_461 = vector.broadcast %jit3A_460 : i32 to vector<1024x128xi32>
    %select_n3A_462 = arith.select %lt3A_458, %broadcast_in_dim3A_461, %select_n3A_456 : vector<1024x128xi1>, vector<1024x128xi32>
    %slice3A_463 = vector.extract_strided_slice %add3A_393 {offsets = [0, 1536], sizes = [1024, 128], strides = [1, 1]} : vector<1024x2048xf32> to vector<1024x128xf32>
    %lt3A_464 = arith.cmpf olt, %slice3A_463, %select_n3A_459 : vector<1024x128xf32>
    %select_n3A_465 = arith.select %lt3A_464, %slice3A_463, %select_n3A_459 : vector<1024x128xi1>, vector<1024x128xf32>
    %jit3A_466 = arith.constant 12 : i32
    %broadcast_in_dim3A_467 = vector.broadcast %jit3A_466 : i32 to vector<1024x128xi32>
    %select_n3A_468 = arith.select %lt3A_464, %broadcast_in_dim3A_467, %select_n3A_462 : vector<1024x128xi1>, vector<1024x128xi32>
    %slice3A_469 = vector.extract_strided_slice %add3A_393 {offsets = [0, 1664], sizes = [1024, 128], strides = [1, 1]} : vector<1024x2048xf32> to vector<1024x128xf32>
    %lt3A_470 = arith.cmpf olt, %slice3A_469, %select_n3A_465 : vector<1024x128xf32>
    %select_n3A_471 = arith.select %lt3A_470, %slice3A_469, %select_n3A_465 : vector<1024x128xi1>, vector<1024x128xf32>
    %jit3A_472 = arith.constant 13 : i32
    %broadcast_in_dim3A_473 = vector.broadcast %jit3A_472 : i32 to vector<1024x128xi32>
    %select_n3A_474 = arith.select %lt3A_470, %broadcast_in_dim3A_473, %select_n3A_468 : vector<1024x128xi1>, vector<1024x128xi32>
    %slice3A_475 = vector.extract_strided_slice %add3A_393 {offsets = [0, 1792], sizes = [1024, 128], strides = [1, 1]} : vector<1024x2048xf32> to vector<1024x128xf32>
    %lt3A_476 = arith.cmpf olt, %slice3A_475, %select_n3A_471 : vector<1024x128xf32>
    %select_n3A_477 = arith.select %lt3A_476, %slice3A_475, %select_n3A_471 : vector<1024x128xi1>, vector<1024x128xf32>
    %jit3A_478 = arith.constant 14 : i32
    %broadcast_in_dim3A_479 = vector.broadcast %jit3A_478 : i32 to vector<1024x128xi32>
    %select_n3A_480 = arith.select %lt3A_476, %broadcast_in_dim3A_479, %select_n3A_474 : vector<1024x128xi1>, vector<1024x128xi32>
    %slice3A_481 = vector.extract_strided_slice %add3A_393 {offsets = [0, 1920], sizes = [1024, 128], strides = [1, 1]} : vector<1024x2048xf32> to vector<1024x128xf32>
    %lt3A_482 = arith.cmpf olt, %slice3A_481, %select_n3A_477 : vector<1024x128xf32>
    %select_n3A_483 = arith.select %lt3A_482, %slice3A_481, %select_n3A_477 : vector<1024x128xi1>, vector<1024x128xf32>
    %jit3A_484 = arith.constant 15 : i32
    %broadcast_in_dim3A_485 = vector.broadcast %jit3A_484 : i32 to vector<1024x128xi32>
    %select_n3A_486 = arith.select %lt3A_482, %broadcast_in_dim3A_485, %select_n3A_480 : vector<1024x128xi1>, vector<1024x128xi32>
    %reduce_min3A_487 = arith.constant dense<0x7F800000> : vector<1024xf32>
    %reduce_min3A_488 = vector.multi_reduction <minimumf>, %select_n3A_483, %reduce_min3A_487 [1] : vector<1024x128xf32> to vector<1024xf32>
    %broadcast_in_dim3A_489 = vector.shape_cast %reduce_min3A_488 : vector<1024xf32> to vector<1024x1xf32>
    %mul3A_490 = arith.constant 128 : i32
    %mul3A_491 = vector.broadcast %mul3A_490 : i32 to vector<1024x128xi32>
    %mul3A_492 = arith.muli %select_n3A_486, %mul3A_491 : vector<1024x128xi32>
    %add3A_493 = arith.addi %mul3A_492, %iota3A : vector<1024x128xi32>
    %eq3A_494 = vector.broadcast %broadcast_in_dim3A_489 : vector<1024x1xf32> to vector<1024x128xf32>
    %eq3A_495 = arith.cmpf oeq, %select_n3A_483, %eq3A_494 : vector<1024x128xf32>
    %jit3A_496 = arith.constant 1073741824 : i32
    %broadcast_in_dim3A_497 = vector.broadcast %jit3A_496 : i32 to vector<1024x128xi32>
    %select_n3A_498 = arith.select %eq3A_495, %add3A_493, %broadcast_in_dim3A_497 : vector<1024x128xi1>, vector<1024x128xi32>
    %reduce_min3A_499 = arith.constant dense<2147483647> : vector<1024xi32>
    %reduce_min3A_500 = vector.multi_reduction <minsi>, %select_n3A_498, %reduce_min3A_499 [1] : vector<1024x128xi32> to vector<1024xi32>
    %broadcast_in_dim3A_501 = vector.shape_cast %reduce_min3A_500 : vector<1024xi32> to vector<1024x1xi32>
    %add3A_502 = arith.constant 6144 : i32
    %add3A_503 = vector.broadcast %add3A_502 : i32 to vector<1024x1xi32>
    %add3A_504 = arith.addi %broadcast_in_dim3A_501, %add3A_503 : vector<1024x1xi32>
    %neg3A_505 = arith.constant 0.000000e+00 : f32
    %neg3A_506 = vector.broadcast %neg3A_505 : f32 to vector<1024x1xf32>
    %neg3A_507 = arith.subf %neg3A_506, %broadcast_in_dim3A_489 : vector<1024x1xf32>
    %gt3A_508 = arith.cmpf ogt, %neg3A_507, %select_n3A_382 : vector<1024x1xf32>
    %select_n3A_509 = arith.select %gt3A_508, %add3A_504, %select_n3A_381 : vector<1024x1xi1>, vector<1024x1xi32>
    %min3A_510 = arith.minimumf %min3A_383, %broadcast_in_dim3A_489 : vector<1024x1xf32>
    %swap3A = arith.constant 0 : index
    %swap3A_511 = arith.constant 0 : index
    %swap3A_512 = vector.load %arg5[%swap3A, %swap3A_511] : memref<1024x1xi32, #tpu.memory_space<vmem>>, vector<1024x1xi32>
    tpu.vector_store %arg5[%swap3A, %swap3A_511], %select_n3A_509 {strides = array<i32>} : memref<1024x1xi32, #tpu.memory_space<vmem>>, vector<1024x1xi32>,
    %reduce_sum3A = vector.shape_cast %min3A_510 : vector<1024x1xf32> to vector<1x1024x1xf32>
    %reduce_sum3A_513 = arith.constant dense<0.000000e+00> : vector<1xf32>
    %reduce_sum3A_514 = vector.multi_reduction <add>, %reduce_sum3A, %reduce_sum3A_513 [1, 2] : vector<1x1024x1xf32> to vector<1xf32>
    %reduce_sum3A_515 = vector.shape_cast %reduce_sum3A_514 : vector<1xf32> to vector<1x1x1xf32>
    %reduce_sum3A_516 = vector.extract %reduce_sum3A_515[0, 0, 0] : f32 from vector<1x1x1xf32>
    %mul3A_517 = arith.constant 3.81469727E-6 : f32
    %mul3A_518 = arith.mulf %reduce_sum3A_516, %mul3A_517 : f32
    %swap3A_519 = arith.constant 0 : index
    %swap3A_520 = arith.constant 0 : index
    %swap3A_521 = arith.constant 0 : index
    %swap3A_522 = memref.load %arg6[%swap3A_519, %swap3A_520, %swap3A_521] : memref<1x1x1xf32, #tpu.memory_space<smem>>
    memref.store %mul3A_518, %arg6[%swap3A_519, %swap3A_520, %swap3A_521] : memref<1x1x1xf32, #tpu.memory_space<smem>>
    %mul3A_523 = arith.constant 1024 : i32
    %mul3A_524 = arith.muli %arg0, %mul3A_523 : i32
    %get3A_525 = arith.constant 0 : index
    %get3A_526 = arith.index_cast %mul3A_524 : i32 to index
    %get3A_527 = vector.load %arg2[%get3A_525, %get3A_526] : memref<32x8192xf32, #tpu.memory_space<vmem>>, vector<32x1024xf32>
    %transpose3A = tpu.transpose %get3A_527, [1, 0] : vector<32x1024xf32> -> vector<1024x32xf32>
    %swap3A_528 = arith.constant 0 : index
    %swap3A_529 = arith.constant 0 : index
    %swap3A_530 = vector.load %arg7[%swap3A_528, %swap3A_529] : memref<1024x32xf32, #tpu.memory_space<vmem>>, vector<1024x32xf32>
    tpu.vector_store %arg7[%swap3A_528, %swap3A_529], %transpose3A {strides = array<i32>} : memref<1024x32xf32, #tpu.memory_space<vmem>>, vector<1024x32xf32>,
    return
  }
  func.func @transform_0(%arg0: i32) -> (i32, i32) {
    %c0_i32 = arith.constant 0 : i32
    %c0_i32_0 = arith.constant 0 : i32
    return %arg0, %c0_i32 : i32, i32
  }
  func.func @transform_1(%arg0: i32) -> (i32, i32) {
    %c0_i32 = arith.constant 0 : i32
    %c0_i32_0 = arith.constant 0 : i32
    %c0_i32_1 = arith.constant 0 : i32
    return %c0_i32, %c0_i32_0 : i32, i32
  }
  func.func @transform_2(%arg0: i32) -> (i32, i32) {
    %c0_i32 = arith.constant 0 : i32
    %c0_i32_0 = arith.constant 0 : i32
    return %arg0, %c0_i32 : i32, i32
  }
  func.func @transform_3(%arg0: i32) -> (i32, i32) {
    %c0_i32 = arith.constant 0 : i32
    %c0_i32_0 = arith.constant 0 : i32
    %c0_i32_1 = arith.constant 0 : i32
    return %c0_i32, %c0_i32_0 : i32, i32
  }
  func.func @transform_4(%arg0: i32) -> (i32, i32) {
    %c0_i32 = arith.constant 0 : i32
    %c0_i32_0 = arith.constant 0 : i32
    return %arg0, %c0_i32 : i32, i32
  }
  func.func @transform_5(%arg0: i32) -> (i32, i32, i32) {
    %c0_i32 = arith.constant 0 : i32
    %c0_i32_0 = arith.constant 0 : i32
    %c0_i32_1 = arith.constant 0 : i32
    return %arg0, %c0_i32, %c0_i32_0 : i32, i32, i32
  }
  func.func @transform_6(%arg0: i32) -> (i32, i32) {
    %c0_i32 = arith.constant 0 : i32
    %c0_i32_0 = arith.constant 0 : i32
    return %arg0, %c0_i32 : i32, i32
  }
}

</mosaic_0001>

<sc_bundles>
// kernel: kernel.4.cloned.1.call-start
scs
__scs_entry_jumppad:
0x0: {  	(pc) =	sbr.rel $0x88, $3  }
0x1: {  	(tag) =	ssettag $0x0;
	lr =	simm.s32 $0x1  }
0x2: {  	[smem:$0x3F9F] =	sst lr;
	_ =	strace $0xD0000000  }
0x3: {  	_ = 	snop  }
0x4: {  	_ = 	snop  }
0x5: {  	_ = 	snop  }
0x6: {  	_ = 	snop  }
0x7: {  	_ = 	snop  }
__scs_overlays_trampoline_lowered:
0x8: {  	[smem:$0x3FAE] =	sst s0  }
0x9: {  	[smem:$0x3FAF] =	sst s1  }
0xa: {  	[smem:$0x3FB0] =	sst s2  }
0xb: {  	[smem:$0x3FB1] =	sst s3  }
0xc: {  	[smem:$0x3FB2] =	sst s4  }
0xd: {  	[smem:$0x3FB3] =	sst s5  }
0xe: {  	[smem:$0x3FB4] =	sst s6  }
0xf: {  	[smem:$0x3FB5] =	sst s7  }
0x10: {  	[smem:$0x3FB6] =	sst s8  }
0x11: {  	[smem:$0x3FB7] =	sst s9;
	s0 =	simm.s32 @!p0 $0x0  }
0x12: {  	s1 =	sld [smem:$0x3F9D];
	s0 =	simm.s32 @p0 $0x1  }
0x13: {  	[smem:$0x3FB8] =	sst s0;
	s0 =	simm.s32 @!p1 $0x0  }
0x14: {  	s2 =	sld [smem:$0x3F9C];
	s0 =	simm.s32 @p1 $0x1  }
0x15: {  	[smem:$0x3FB9] =	sst s0;
	s0 =	simm.s32 @!p2 $0x0  }
0x16: {  	s3 =	sld [smem:$0x3FDB];
	s0 =	simm.s32 @p2 $0x1  }
0x17: {  	s4 =	simm.s32 $0x1BF5;
	[smem:$0x3FBB] =	sst s0  }
0x18: {  	s0 =	sld [smem:$0x3F9E];
	_ =	swait.ge [sflag:s4], $0x0  }
0x19: {  	s7 =	sld [smem:$0x3F9F]  }
0x1a: {  	s8 =	sadd.s32 $0xFFFFE003, lr  }
0x1b: {  	s9 =	sadd.s32 $0xFFFFFEF7, lr;
	s5 =	simm.s32 $0xFFFFFFFF;
	p2 =	slt.u32 s8, $0xFFFFF086  }
0x1c: {  	p1 =	slt.u32 s9, $0xF7A;
	s5 =	simm.s32 @!p2 $0x0  }
0x1d: {  	s5 =	simm.s32 @p1 $0x1;
	p0 =	seq.s32 s7, s2  }
0x1e: {  	s7 =	smul.u32 @!p0 $0xF7A, s2;
	p2 =	seq.s32 @!p0 s5, $0x0  }
0x1f: {  	s9 =	smul.u32 $0xF7A, s1;
	s8 =	simm.s32 @!p0 $0x1BF5;
	p2 =	por !p2, p0  }
0x20: {  	[sflag:s8] =	ssyncset.s32 @!p0 $0xFFFFF086;
	s6 =	sadd.s32 @!p0 s3, s7;
	s7 =	simm.s32 @!p0 $0x108  }
0x21: {  	s3 =	sadd.s32 s3, s9;
	s6 =	sadd.s32 @!p0 $0x88, s6;
	s7 =	simm.s32 @p2 $0x1082  }
0x22: {  	[simem:s7], [sflag:s8] =	dma.local @!p0 [hbm:s6], $0xF7A  }
0x23: {  	s9 =	sor.u32 $0xD0000000, s2;
	s6 =	simm.s32 $0x108;
	_ =	swait.ge @!p0 [sflag:s8], $0x0  }
0x24: {  	s3 =	sadd.s32 $0x88, s3;
	s6 =	simm.s32 @!p1 $0x1082;
	[sflag:s4] =	ssyncset.s32 $0xFFFFF086  }
0x25: {  	[simem:s6], [sflag:s4] =	dma.local [hbm:s3], $0xF7A  }
0x26: {  	[smem:$0x3F9F] =	sst s1;
	(tag) =	ssettag s2;
	_ =	strace s9  }
0x27: {  	s1 =	sld [smem:$0x3FAF]  }
0x28: {  	s2 =	sld [smem:$0x3FB0]  }
0x29: {  	s4 =	sld [smem:$0x3FB2]  }
0x2a: {  	p0 =	seq.s32 s5, $0x0;
	s5 =	sld [smem:$0x3FB3]  }
0x2b: {  	s6 =	sld [smem:$0x3FB4]  }
0x2c: {  	s7 =	sld [smem:$0x3FB5]  }
0x2d: {  	s3 =	simm.s32 $0x108;
	s8 =	sld [smem:$0x3FB6]  }
0x2e: {  	s3 =	simm.s32 @!p0 $0x1082;
	s9 =	sld [smem:$0x3FB7]  }
0x2f: {  	lr =	sadd.s32 s0, s3;
	s0 =	sld [smem:$0x3FAE]  }
0x30: {  	s3 =	sld [smem:$0x3FB1]  }
0x31: {  	[smem:$0x3FBA] =	sst s10  }
0x32: {  	s10 =	sld [smem:$0x3FB8];
	_ =	sdelay $0x3  }
0x33: {  	p0 =	seq.s32 s10, $0x1;
	s10 =	sld [smem:$0x3FBA];
	_ =	sdelay $0x3  }
0x34: {  	[smem:$0x3FBA] =	sst s10  }
0x35: {  	s10 =	sld [smem:$0x3FB9];
	_ =	sdelay $0x3  }
0x36: {  	p1 =	seq.s32 s10, $0x1;
	s10 =	sld [smem:$0x3FBA];
	_ =	sdelay $0x3  }
0x37: {  	[smem:$0x3FBA] =	sst s10  }
0x38: {  	s10 =	sld [smem:$0x3FBB]  }
0x39: {  	_ = 	snop;
	(pc) =	sbr.ind lr, $3  }
0x3a: {  	_ = 	snop  }
0x3b: {  	_ = 	snop  }
0x3c: {  	p2 =	seq.s32 s10, $0x1;
	s10 =	sld [smem:$0x3FBA]  }
0x3d: {  	_ =	shalt  }
0x3e: {  	_ =	shalt  }
0x3f: {  	_ =	shalt  }
0x40: {  	_ =	shalt  }
0x41: {  	_ =	shalt  }
0x42: {  	_ =	shalt  }
0x43: {  	_ =	shalt  }
0x44: {  	_ =	shalt  }
0x45: {  	_ =	shalt  }
0x46: {  	_ =	shalt  }
0x47: {  	_ =	shalt  }
0x48: {  	_ =	shalt  }
0x49: {  	_ =	shalt  }
0x4a: {  	_ =	shalt  }
0x4b: {  	_ =	shalt  }
0x4c: {  	_ =	shalt  }
0x4d: {  	_ =	shalt  }
0x4e: {  	_ =	shalt  }
0x4f: {  	_ =	shalt  }
0x50: {  	_ =	shalt  }
0x51: {  	_ =	shalt  }
0x52: {  	_ =	shalt  }
0x53: {  	_ =	shalt  }
0x54: {  	_ =	shalt  }
0x55: {  	_ =	shalt  }
0x56: {  	_ =	shalt  }
0x57: {  	_ =	shalt  }
0x58: {  	_ =	shalt  }
0x59: {  	_ =	shalt  }
0x5a: {  	_ =	shalt  }
0x5b: {  	_ =	shalt  }
0x5c: {  	_ =	shalt  }
0x5d: {  	_ =	shalt  }
0x5e: {  	_ =	shalt  }
0x5f: {  	_ =	shalt  }
0x60: {  	_ =	shalt  }
0x61: {  	_ =	shalt  }
0x62: {  	_ =	shalt  }
0x63: {  	_ =	shalt  }
0x64: {  	_ =	shalt  }
0x65: {  	_ =	shalt  }
0x66: {  	_ =	shalt  }
0x67: {  	_ =	shalt  }
0x68: {  	_ =	shalt  }
0x69: {  	_ =	shalt  }
0x6a: {  	_ =	shalt  }
0x6b: {  	_ =	shalt  }
0x6c: {  	_ =	shalt  }
0x6d: {  	_ =	shalt  }
0x6e: {  	_ =	shalt  }
0x6f: {  	_ =	shalt  }
0x70: {  	_ =	shalt  }
0x71: {  	_ =	shalt  }
0x72: {  	_ =	shalt  }
0x73: {  	_ =	shalt  }
0x74: {  	_ =	shalt  }
0x75: {  	_ =	shalt  }
0x76: {  	_ =	shalt  }
0x77: {  	_ =	shalt  }
0x78: {  	_ =	shalt  }
0x79: {  	_ =	shalt  }
0x7a: {  	_ =	shalt  }
0x7b: {  	_ =	shalt  }
0x7c: {  	_ =	shalt  }
0x7d: {  	_ =	shalt  }
0x7e: {  	_ =	shalt  }
0x7f: {  	_ =	shalt  }
0x80: {  	_ =	shalt  }
0x81: {  	_ =	shalt  }
0x82: {  	_ =	shalt  }
0x83: {  	_ =	shalt  }
0x84: {  	_ =	shalt  }
0x85: {  	_ =	shalt  }
0x86: {  	_ =	shalt  }
0x87: {  	_ =	shalt  }
.Lfunc_end0:
.L_simem_size_0:
called_computation_lowered:
.L_overlay_start_0:
0x88: {  	s2 =	sld [smem:$0x3FD9]  }
0x89: {  	s3 =	sld [smem:$0x3FFE];
	_ =	sdelay $0x1  }
0x8a: {  	s1 =	srdreg.scid  }
0x8b: {  	s0 =	sand.u32 $0x1, s1  }
0x8c: {  	s14 =	sshll.u32 s0, $0xA;
	s2 =	sadd.s32 s3, s2  }
0x8d: {  	s2 =	sadd.s32 s2, s14  }
0x8e: {  	[smem:$0x3FC6] =	sst s2  }
0x8f: {  	_ = 	snop  }
0x90: {  	s2 =	sld [smem:$0x3FD0];
	_ =	sdelay $0x2  }
0x91: {  	s15 =	simm.s32 $0xA;
	s4 =	simm.s32 $0x10  }
0x92: {  	[smem:s4], [sflag:s15] =	dma.local [hbm:s2], $0x1  }
0x93: {  	_ =	swait.eq [sflag:s15], $0x1  }
0x94: {  	[sflag:s15] =	ssyncset.done $0x0  }
0x95: {  	[sflag:s15] =	ssyncadd.s32 $0xFFFFFFFF  }
0x96: {  	s16 =	sld [smem:$0x10];
	(tm) =	ssettm $0x1  }
0x97: {  	s17 =	sld [smem:$0x3FFB];
	_ =	sdelay $0x3  }
0x98: {  	_ =	strace s17  }
0x99: {  	s3 =	sld [smem:$0x3FFC];
	_ =	sdelay $0x3  }
0x9a: {  	_ =	strace s3  }
0x9b: {  	s3 =	sld [smem:$0x3FFD];
	_ =	sdelay $0x3  }
0x9c: {  	_ =	strace s3  }
0x9d: {  	_ =	strace $0x8FFFFFFF  }
0x9e: {  	s18 =	sld [smem:$0x3FDB];
	_ =	sdelay $0x1  }
0x9f: {  	s19 =	simm.s32 $_scs_section_size  }
0xa0: {  	s5 =	simm.s32 $_size__tile_overlayer_lowered;
	s6 =	simm.s32 $_tile_overlayer_lowered  }
0xa1: {  	s22 =	simm.s32 $0x1BFF;
	s21 =	sshll.u32 s6, $0x1;
	s3 =	sadd.s32 s19, s18  }
0xa2: {  	s7 =	simm.s32 $0x0;
	s20 =	sshll.u32 s5, $0x1;
	s5 =	sadd.s32 s21, s3  }
0xa3: {  	[timem:s7], [sflag:s22] =	dma.local [hbm:s5], s20  }
0xa4: {  	_ =	swait.ge [sflag:s22], s20  }
0xa5: {  	s4 =	ssub.s32 $0x0, s20;
	[sflag:s22] =	ssyncset.done $0x0  }
0xa6: {  	[sflag:s22] =	ssyncadd.s32 s4;
	_ =	sdelay $0x1  }
0xa7: {  	s23 =	simm.s32 $0x1B8B  }
0xa8: {  	_ =	swait.ge [sflag:s23], $0x1  }
0xa9: {  	[sflag:s23] =	ssyncset.done $0x0  }
0xaa: {  	s25 =	simm.s32 $0x1B8E;
	s24 =	sld [smem:$0x3FFE];
	[sflag:s23] =	ssyncadd.s32 $0xFFFFFFFF  }
0xab: {  	s26 =	simm.s32 $execute0_lowered;
	[smem:$0x3FD2] =	sst s25  }
0xac: {  	s5 =	sshll.u32 s26, $0x1;
	_ =	strace $0x80000046;
	[dreg:$0x1] =	wrdreg $0xFFFFFFFF  }
0xad: {  	s28 =	simm.s32 $_size_execute0_lowered;
	s3 =	sadd.s32 s3, s5;
	[dreg:$0x0] =	wrdreg $0x0  }
0xae: {  	s5 =	sshll.u32 s28, $0x1;
	[dreg:$0x2] =	wrdreg s3  }
0xaf: {  	[dreg:$0x3] =	wrdreg s5  }
0xb0: {  	[dreg:$0x4] =	wrdreg $0xC0  }
0xb1: {  	_ =	task [dreg:s7], $0x5FFFF  }
0xb2: {  	[dreg:$0x1] =	wrdreg $0xFFFFFFFF  }
0xb3: {  	[dreg:$0x0] =	wrdreg $0x60  }
0xb4: {  	[dreg:$0x2] =	wrdreg s16  }
0xb5: {  	[dreg:$0x3] =	wrdreg s24  }
0xb6: {  	[dreg:$0x4] =	wrdreg $0x9  }
0xb7: {  	_ =	task.clear_ibuf [dreg:s7], $0x5FFFF;
	_ =	strace $0x90000046  }
0xb8: {  	s29 =	simm.s32 $0x9;
	_ =	strace $0x80000048  }
0xb9: {  	_ =	swait.ge [sflag:s29], $0x1  }
0xba: {  	[sflag:s29] =	ssyncadd.s32 $0xFFFFFFFF  }
0xbb: {  	_ =	strace $0x90000048  }
0xbc: {  	_ =	sfence  }
0xbd: {  	s30 =	sld [smem:$0x0];
	_ =	sdelay $0x2  }
0xbe: {  	s31 =	sshll.u32 s1, $0xD;
	s1 =	sshrl.u32 s1, $0x2  }
0xbf: {  	s3 =	sand.u32 $0x4000, s31;
	s1 =	sadd.s32 s1, s30  }
0xc0: {  	s0 =	sor.u32 s3, s0;
	s1 =	sshll.u32 s1, $0x11  }
0xc1: {  	s0 =	sor.u32 s1, s0  }
0xc2: {  	s0 =	sadd.s32 $0x8F2B, s0  }
0xc3: {  	[sflag:s0] =	ssyncadd.remote.s32 $0x1  }
0xc4: {  	_ =	sfence.sel $0xFFFF  }
0xc5: {  	[dreg:$0x0] =	wrdreg $0xFFFFFFFF;
	(pc) =	sbr.abs _section_cstart, $3  }
0xc6: {  	[dreg:$0x1] =	wrdreg $0xFFFFFFFF  }
0xc7: {  	_ =	task.clear_ibuf [dreg:s7], $0x2FFFF;
	_ =	strace $0x9FFFFFFF  }
0xc8: {  	(tm) =	ssettm $0x7FFFFFFF  }
0xc9: {  	_ =	shalt  }
tec
execute0_lowered:
.L_overlay_start_1:
0x0: {  	(tag) =	ssettag $0x1  }
0x1: {  	s1 =	srdreg.scid;
	s2 =	rddreg [dreg:$0x0]  }
0x2: {  	s0 =	stileid.u32;
	s8 =	rddreg [dreg:$0x1];
	s6 =	sand.u32 $0x1, s1  }
0x3: {  	s3 =	simm.s32 $0x0;
	s4 =	sshll.u32 s0, $0x9;
	s5 =	sshll.u32 s6, $0x8  }
0x4: {  	s7 =	simm.s32 $0x1;
	[smem:$0x7FF] =	sst s3;
	s9 =	sor.u32 s5, s4  }
0x5: {  	s1 =	rddreg [dreg:$0x2];
	_ =	strace $0x80000047;
	s4 =	sshrl.u32 s9, $0x3  }
0x6: {  	s10 =	ssub.s32 $0x2, s6;
	s5 =	sadd.s32 s8, s4;
	s4 =	simm.s32 $0x2  }
0x7: {  	[tilespmem:s3], [sflag:$0x2] =	stream.linear.gather [hbm4b:s5+s3], $0x100, $0x38;
	[tilespmem:$0x2100] =	vst v63  }
0x8: {  	s6 =	simm.s32 $0x100;
	s11 =	sshrl.u32 s10, $0x1;
	_ =	swait.ge [sflag:s4], $0x100  }
0x9: {  	s9 =	sshll.u32 s9, $0x2;
	s31 =	ssub.s32 s10, s11;
	[sflag:s4] =	ssyncset.done $0x0  }
0xa: {  	s8 =	sadd.s32 s9, s8;
	s9 =	smax.u32 s31, $0x1;
	[sflag:s4] =	ssyncadd.s32 $0xFFFFFF00  }
0xb: {  	[tilespmem:s6], [sflag:$0x1] =	stream.indirect.gather [hbm4b:s2+s6], $0x20, s3, s6, $0xb8;
	[tilespmem:$0x2100] =	vst v63  }
0xc: {  	p0 =	sne.s32 s9, $0x1;
	_ =	swait.ge [sflag:s7], $0x2000  }
.Ltmp0:
0xd: {  	[sflag:s7] =	ssyncset.done $0x0;
	(pc) =	sbr.rel @!p0 .LBB2_2-.Ltmp0, $4  }
0xe: {  	s8 =	sadd.s32 $0x400, s8;
	[sflag:s7] =	ssyncadd.s32 $0xFFFFE000  }
0xf: {  	[hbm4b:s8+s3] =	stream.linear.scatter [tilespmem:s6], [sflag:$0x2], $0x2000, $0x38;
	[tilespmem:$0x2100] =	vst v63  }
0x10: {  	_ =	swait.ge [sflag:s4], $0x2000  }
0x11: {  	s9 =	sadd.s32 $0xFFFFFFFF, s9;
	[sflag:s4] =	ssyncset.done $0x0  }
.LBB2_1:
0x12: {  	p0 =	sne.s32 s9, $0x1;
	s9 =	sadd.s32 $0xFFFFFFFF, s9;
	[sflag:s4] =	ssyncadd.s32 $0xFFFFE000  }
0x13: {  	[tilespmem:s3], [sflag:$0x2] =	stream.linear.gather [hbm4b:s5+s3], $0x100, $0x38;
	[tilespmem:$0x2100] =	vst v63  }
0x14: {  	_ =	swait.ge [sflag:s4], $0x100  }
0x15: {  	[sflag:s4] =	ssyncset.done $0x0  }
0x16: {  	[sflag:s4] =	ssyncadd.s32 $0xFFFFFF00  }
0x17: {  	[tilespmem:s6], [sflag:$0x1] =	stream.indirect.gather [hbm4b:s2+s6], $0x20, s3, s6, $0xb8;
	[tilespmem:$0x2100] =	vst v63  }
0x18: {  	_ =	swait.ge [sflag:s7], $0x2000  }
.Ltmp1:
0x19: {  	[sflag:s7] =	ssyncset.done $0x0;
	(pc) =	sbr.rel @p0 .LBB2_1-.Ltmp1, $4  }
0x1a: {  	[sflag:s7] =	ssyncadd.s32 $0xFFFFE000  }
0x1b: {  	[hbm4b:s8+s3] =	stream.linear.scatter [tilespmem:s6], [sflag:$0x2], $0x2000, $0x38;
	[tilespmem:$0x2100] =	vst v63  }
0x1c: {  	_ =	swait.ge [sflag:s4], $0x2000  }
0x1d: {  	[sflag:s4] =	ssyncset.done $0x0  }
.LBB2_2:
0x1e: {  	[sflag:s4] =	ssyncadd.s32 $0xFFFFE000  }
0x1f: {  	_ =	sfence.sel $0x180000  }
0x20: {  	[bflag:$0x0] =	sbarrier.arrive $0xFFFF  }
0x21: {  	p0 =	sne.s32 s0, $0x0;
	_ =	strace $0x90000047  }
0x22: {  	s0 =	sadd.s32 @!p0 $0x100000, s1;
	[bflag:$0x2] =	sbarrier.arrive $0xFFFF  }
0x23: {  	[sflag:s0] =	ssyncadd.tile.s32 @!p0 $0x1;
	_ =	shalt  }
.Lfunc_end2:
_tile_overlayer_lowered:
.L_overlay_start_2:
0x24: {  	(tag) =	ssettag $0x2  }
0x25: {  	s0 =	rddreg [dreg:$0x0];
	s2 =	stileid.u32  }
0x26: {  	s1 =	rddreg [dreg:$0x1];
	p0 =	sne.s32 s2, $0x0  }
0x27: {  	s3 =	rddreg [dreg:$0x2];
	[bflag:$0x3] =	sbarrier.arrive $0xFFFF;
	s2 =	simm.s32 @!p0 $0x1C02  }
0x28: {  	[timem:s3], [sflag:s2] =	dma.local @!p0 [hbm:s0], s1  }
0x29: {  	s0 =	simm.s32 @!p0 $0x2  }
0x2a: {  	_ =	swait.ge @!p0 [sflag:s0], s1  }
0x2b: {  	s1 =	ssub.s32 @!p0 $0x0, s1;
	[sflag:s0] =	ssyncset.done @!p0 $0x0  }
0x2c: {  	[sflag:s0] =	ssyncadd.s32 @!p0 s1  }
0x2d: {  	[bflag:$0x3] =	sbarrier.arrive $0xFFFF  }
0x2e: {  	_ =	shalt  }

</sc_bundles>
